<compile_context>
chip_gen: v7x
topology: tpu7x:2x2x1
jax: 0.10.2.dev20260603
libtpu: 0.0.44.dev20260713+nightly
codegen_flags: <defaults>
</compile_context>

<pallas_src>
import functools

import jax
import jax.numpy as jnp
from jax import lax
from jax.experimental import pallas as pl
from jax.experimental.pallas import tpu as pltpu
from jax.experimental.pallas import tpu_sc as plsc

_EMBED = 128
_SEQLEN = 200
_NSEG = 3
_NC = 2
_NS = 16
_NW = _NC * _NS
_LANES = 16
_CHUNK = 128
_NBUF = 4


def _pe_seg_body(seg_ref, out_ref):
    rows = _SEQLEN * _NSEG
    r = lax.broadcasted_iota(jnp.int32, (rows, _EMBED), 0)
    c = lax.broadcasted_iota(jnp.int32, (rows, _EMBED), 1)
    pos = (r // _NSEG).astype(jnp.float32)
    g = r % _NSEG
    i_even = ((c // 2) * 2).astype(jnp.float32)
    div = jnp.exp(-jnp.log(10000.0) * i_even / _EMBED)
    ang = pos * div
    pe = jnp.where(c % 2 == 0, jnp.sin(ang), jnp.cos(ang))
    seg = jnp.where(
        g == 0,
        seg_ref[0:1, :],
        jnp.where(g == 1, seg_ref[1:2, :], seg_ref[2:3, :]),
    )
    out_ref[...] = pe + seg


def _build_pe_seg(segment_table):
    return pl.pallas_call(
        _pe_seg_body,
        out_shape=jax.ShapeDtypeStruct((_SEQLEN * _NSEG, _EMBED), jnp.float32),
    )(segment_table)


def _make_sc_kernel(n_rows):
    rows_per_w = n_rows // _NW
    n_chunks = rows_per_w // _CHUNK
    mesh = plsc.VectorSubcoreMesh(core_axis_name="c", subcore_axis_name="s")

    scratch = [
        pltpu.VMEM((n_chunks, _CHUNK), jnp.int32),
        pltpu.VMEM((n_chunks, _CHUNK), jnp.int32),
    ]
    scratch += [pltpu.VMEM((_CHUNK, _EMBED), jnp.float32)] * _NBUF
    scratch += [pltpu.VMEM_SHARED((_SEQLEN * _NSEG, _EMBED), jnp.float32)]
    scratch += [pltpu.SemaphoreType.DMA] * (3 * _NBUF)

    @functools.partial(
        pl.kernel,
        out_type=jax.ShapeDtypeStruct((n_rows, _EMBED), jnp.float32),
        mesh=mesh,
        scratch_types=scratch,
    )
    def sc_embed(seq_hbm, lbl_hbm, tok_hbm, peseg_hbm, out_hbm, *scr):
        itok_a, ips_a = scr[0], scr[1]
        rows = list(scr[2:2 + _NBUF])
        peseg_l = scr[2 + _NBUF]
        sems = scr[3 + _NBUF:]
        sem_ps = list(sems[:_NBUF])
        sem_tok = list(sems[_NBUF:2 * _NBUF])
        sem_out = list(sems[2 * _NBUF:3 * _NBUF])

        sid = lax.axis_index("s")
        wid = sid * _NC + lax.axis_index("c")
        wbase = wid * rows_per_w

        @pl.when(sid == 0)
        def _stage():
            pltpu.sync_copy(peseg_hbm, peseg_l)

        pltpu.sync_copy(seq_hbm.at[wid], itok_a)
        pltpu.sync_copy(lbl_hbm.at[wid], ips_a)

        @pl.loop(0, n_chunks)
        def _fuse_chunk(ci):
            @pl.loop(0, _CHUNK // _LANES)
            def _fuse(j):
                off = wbase + ci * _CHUNK + j * _LANES
                pos = (off + lax.iota(jnp.int32, _LANES)) % _SEQLEN
                sl = pl.ds(j * _LANES, _LANES)
                ips_a[ci, sl] = pos * _NSEG + ips_a[ci, sl]

        plsc.subcore_barrier()

        def start_ps(ci, b):
            pltpu.async_copy(peseg_l.at[ips_a.at[ci]], rows[b], sem_ps[b])

        def wait_ps(b):
            pltpu.make_async_copy(
                peseg_l.at[ips_a.at[0]], rows[b], sem_ps[b]).wait()

        def start_tok(ci, b):
            pltpu.async_copy(
                tok_hbm.at[itok_a.at[ci]], rows[b], sem_tok[b], add=True)

        def wait_tok(b):
            pltpu.make_async_copy(
                tok_hbm.at[itok_a.at[0]], rows[b], sem_tok[b]).wait()

        def start_out(ci, b):
            base = wbase + ci * _CHUNK
            pltpu.async_copy(rows[b], out_hbm.at[pl.ds(base, _CHUNK)],
                             sem_out[b])

        def wait_out(b):
            pltpu.make_async_copy(
                rows[b], out_hbm.at[pl.ds(wbase, _CHUNK)], sem_out[b]).wait()

        start_ps(0, 0)
        for j in range(_NBUF):
            wait_ps(j)
            start_tok(j, j)
            if j >= 1:
                wait_tok(j - 1)
                start_out(j - 1, j - 1)
            if j == _NBUF - 1:
                wait_out(0)
            if j + 1 < _NBUF:
                start_ps(j + 1, j + 1)
            else:
                start_ps(_NBUF, 0)

        @pl.loop(1, n_chunks // _NBUF)
        def _ring(t):
            for j in range(_NBUF):
                ci = _NBUF * t + j
                b = j
                wait_ps(b)
                start_tok(ci, b)
                wait_tok((b - 1) % _NBUF)
                start_out(ci - 1, (b - 1) % _NBUF)
                wait_out((b + 1) % _NBUF)

                @pl.when(ci + 1 < n_chunks)
                def _refill():
                    start_ps(ci + 1, (b + 1) % _NBUF)

        wait_tok(_NBUF - 1)
        start_out(n_chunks - 1, _NBUF - 1)
        for b in range(1, _NBUF):
            wait_out(b)

    return sc_embed


def kernel(sequence, segment_label, token_table, segment_table):
    batch, seqlen = sequence.shape
    n_rows = batch * seqlen
    pe_seg = _build_pe_seg(segment_table.astype(jnp.float32))
    rows_per_w = n_rows // _NW
    n_chunks = rows_per_w // _CHUNK
    seq_w = sequence.reshape(_NW, n_chunks, _CHUNK).astype(jnp.int32)
    lbl_w = segment_label.reshape(_NW, n_chunks, _CHUNK).astype(jnp.int32)
    sc = _make_sc_kernel(n_rows)
    out = sc(seq_w, lbl_w, token_table, pe_seg)
    return out.reshape(batch, seqlen, _EMBED)

# --- scband reference (transcript-rebuilt; emitter-appended) ---
"""Pipeline reference for scband-bertembedding-60095182405713 (READ-ONLY COPY).

The authoritative reference and input builder live on the scoring server;
editing this copy changes nothing except your own understanding.
"""

import jax, jax.numpy as jnp
import numpy as np

VOCAB = 100000
EMBED = 128
BATCH = 4096
SEQLEN = 200
NUM_SEGMENTS = 3


def _positional_encoding(seq_len, d_model):
    pos = jnp.arange(seq_len, dtype=jnp.float32)[:, None]
    i = jnp.arange(0, d_model, 2, dtype=jnp.float32)
    div = jnp.exp(-(jnp.log(10000.0)) * i / d_model)
    pe = jnp.zeros((seq_len, d_model), dtype=jnp.float32)
    pe = pe.at[:, 0::2].set(jnp.sin(pos * div))
    pe = pe.at[:, 1::2].set(jnp.cos(pos * div))
    return pe


def setup_inputs(seed: int = 0) -> dict:
    key = jax.random.key(seed)
    k1, k2, k3, k4 = jax.random.split(key, 4)
    sequence = jax.random.randint(k1, (BATCH, SEQLEN), 0, VOCAB)
    segment_label = jax.random.randint(k2, (BATCH, SEQLEN), 0, NUM_SEGMENTS)
    token_table = jax.random.normal(k3, (VOCAB, EMBED), dtype=jnp.float32) * 0.02
    segment_table = jax.random.normal(k4, (NUM_SEGMENTS, EMBED), dtype=jnp.float32) * 0.02
    return {
        "sequence": sequence,
        "segment_label": segment_label,
        "token_table": token_table,
        "segment_table": segment_table,
    }


def reference(sequence, segment_label, token_table, segment_table):
    # TokenEmbedding: table gather
    tok = jnp.take(token_table, sequence, axis=0)
    # PositionalEmbedding: fixed sinusoidal, sliced to seq_len, broadcast over batch
    pe = _positional_encoding(sequence.shape[1], token_table.shape[1])
    # SegmentEmbedding: small table gather
    seg = jnp.take(segment_table, segment_label, axis=0)
    x = tok + pe[None, :, :] + seg
    # Dropout is identity in eval mode
    return x

if __name__ == "__main__":
    import jax
    _d = setup_inputs()
    print(jax.jit(kernel)(*tuple(_d.values())))

</pallas_src>

<mosaic_0001>
#map = affine_map<(d0, d1) -> (0, 0, 0)>
#map1 = affine_map<(d0, d1) -> (0, 0)>
module attributes {stable_mosaic.version = 14 : i64} {
  func.func @sc_embed(%arg0: i32, %arg1: i32, %arg2: memref<32x200x128xi32, #tpu.memory_space<hbm>>, %arg3: memref<32x200x128xi32, #tpu.memory_space<hbm>>, %arg4: memref<100000x128xf32, #tpu.memory_space<hbm>>, %arg5: memref<600x128xf32, #tpu.memory_space<hbm>>, %arg6: memref<819200x128xf32, #tpu.memory_space<hbm>>, %arg7: memref<200x128xi32, #tpu.memory_space<vmem>>, %arg8: memref<200x128xi32, #tpu.memory_space<vmem>>, %arg9: memref<128x128xf32, #tpu.memory_space<vmem>>, %arg10: memref<128x128xf32, #tpu.memory_space<vmem>>, %arg11: memref<128x128xf32, #tpu.memory_space<vmem>>, %arg12: memref<128x128xf32, #tpu.memory_space<vmem>>, %arg13: memref<600x128xf32, #tpu.memory_space<vmem_shared>>, %arg14: memref<!tpu.dma_semaphore, #tpu.memory_space<semaphore_mem>>, %arg15: memref<!tpu.dma_semaphore, #tpu.memory_space<semaphore_mem>>, %arg16: memref<!tpu.dma_semaphore, #tpu.memory_space<semaphore_mem>>, %arg17: memref<!tpu.dma_semaphore, #tpu.memory_space<semaphore_mem>>, %arg18: memref<!tpu.dma_semaphore, #tpu.memory_space<semaphore_mem>>, %arg19: memref<!tpu.dma_semaphore, #tpu.memory_space<semaphore_mem>>, %arg20: memref<!tpu.dma_semaphore, #tpu.memory_space<semaphore_mem>>, %arg21: memref<!tpu.dma_semaphore, #tpu.memory_space<semaphore_mem>>, %arg22: memref<!tpu.dma_semaphore, #tpu.memory_space<semaphore_mem>>, %arg23: memref<!tpu.dma_semaphore, #tpu.memory_space<semaphore_mem>>, %arg24: memref<!tpu.dma_semaphore, #tpu.memory_space<semaphore_mem>>, %arg25: memref<!tpu.dma_semaphore, #tpu.memory_space<semaphore_mem>>) attributes {dimension_semantics = [#tpu.dimension_semantics<core_parallel>, #tpu.dimension_semantics<subcore_parallel>], iteration_bounds = array<i64: 2, 16>, scalar_prefetch = 0 : i64, scratch_operands = 19 : i64, tpu.core_type = #tpu.core_type<sc_vector_subcore>, window_params = [{transform_indices = #map}, {transform_indices = #map}, {transform_indices = #map1}, {transform_indices = #map1}, {transform_indices = #map1}]} {
    %mul3A = arith.constant 2 : i32
    %mul3A_0 = arith.muli %arg1, %mul3A : i32
    %add3A = arith.addi %mul3A_0, %arg0 : i32
    %mul3A_1 = arith.constant 25600 : i32
    %mul3A_2 = arith.muli %add3A, %mul3A_1 : i32
    %eq3A = arith.constant 0 : i32
    %eq3A_3 = arith.cmpi eq, %arg1, %eq3A : i32
    %convert_element_type3A = arith.extui %eq3A_3 : i1 to i32
    %cond3A = arith.constant 0 : i32
    %cond3A_4 = arith.cmpi ne, %convert_element_type3A, %cond3A : i32
    scf.if %cond3A_4 {
      "tpu.region"() ({
        %run_scoped3A = tpu.sem_alloc : memref<!tpu.dma_semaphore, #tpu.memory_space<semaphore_mem>>
        tpu.enqueue_dma source(%arg5 : memref<600x128xf32, #tpu.memory_space<hbm>>) target(%arg13 : memref<600x128xf32, #tpu.memory_space<vmem_shared>>) target_semaphore(%run_scoped3A : memref<!tpu.dma_semaphore, #tpu.memory_space<semaphore_mem>>)
        tpu.wait_dma2 semaphore(%run_scoped3A : memref<!tpu.dma_semaphore, #tpu.memory_space<semaphore_mem>>) src(%arg5 : memref<600x128xf32, #tpu.memory_space<hbm>>) dst(%arg13 : memref<600x128xf32, #tpu.memory_space<vmem_shared>>)
        tpu.yield
      }) : () -> ()
    } else {
    }
    "tpu.region"() ({
      %run_scoped3A = tpu.sem_alloc : memref<!tpu.dma_semaphore, #tpu.memory_space<semaphore_mem>>
      %dma_start3A_171 = arith.constant 0 : i32
      %dma_start3A_172 = arith.constant 0 : i32
      %dma_start3A_173 = tpu.memref_slice %arg2[%add3A, %dma_start3A_171, %dma_start3A_172] : memref<32x200x128xi32, #tpu.memory_space<hbm>> -> memref<1x200x128xi32, #tpu.memory_space<hbm>>
      %dma_start3A_174 = tpu.memref_squeeze %dma_start3A_173 : memref<1x200x128xi32, #tpu.memory_space<hbm>> -> memref<200x128xi32, #tpu.memory_space<hbm>>
      %dma_start3A_175 = arith.constant 0 : i32
      %dma_start3A_176 = arith.constant 0 : i32
      %dma_start3A_177 = tpu.memref_slice %arg2[%add3A, %dma_start3A_175, %dma_start3A_176] : memref<32x200x128xi32, #tpu.memory_space<hbm>> -> memref<1x200x128xi32, #tpu.memory_space<hbm>>
      %dma_start3A_178 = tpu.memref_squeeze %dma_start3A_177 : memref<1x200x128xi32, #tpu.memory_space<hbm>> -> memref<200x128xi32, #tpu.memory_space<hbm>>
      tpu.enqueue_dma source(%dma_start3A_178 : memref<200x128xi32, #tpu.memory_space<hbm>>) target(%arg7 : memref<200x128xi32, #tpu.memory_space<vmem>>) target_semaphore(%run_scoped3A : memref<!tpu.dma_semaphore, #tpu.memory_space<semaphore_mem>>)
      %dma_wait3A_179 = arith.constant 0 : i32
      %dma_wait3A_180 = arith.constant 0 : i32
      %dma_wait3A_181 = tpu.memref_slice %arg2[%add3A, %dma_wait3A_179, %dma_wait3A_180] : memref<32x200x128xi32, #tpu.memory_space<hbm>> -> memref<1x200x128xi32, #tpu.memory_space<hbm>>
      %dma_wait3A_182 = tpu.memref_squeeze %dma_wait3A_181 : memref<1x200x128xi32, #tpu.memory_space<hbm>> -> memref<200x128xi32, #tpu.memory_space<hbm>>
      %dma_wait3A_183 = arith.constant 0 : i32
      %dma_wait3A_184 = arith.constant 0 : i32
      %dma_wait3A_185 = tpu.memref_slice %arg2[%add3A, %dma_wait3A_183, %dma_wait3A_184] : memref<32x200x128xi32, #tpu.memory_space<hbm>> -> memref<1x200x128xi32, #tpu.memory_space<hbm>>
      %dma_wait3A_186 = tpu.memref_squeeze %dma_wait3A_185 : memref<1x200x128xi32, #tpu.memory_space<hbm>> -> memref<200x128xi32, #tpu.memory_space<hbm>>
      tpu.wait_dma2 semaphore(%run_scoped3A : memref<!tpu.dma_semaphore, #tpu.memory_space<semaphore_mem>>) src(%dma_wait3A_186 : memref<200x128xi32, #tpu.memory_space<hbm>>) dst(%arg7 : memref<200x128xi32, #tpu.memory_space<vmem>>)
      tpu.yield
    }) : () -> ()
    "tpu.region"() ({
      %run_scoped3A = tpu.sem_alloc : memref<!tpu.dma_semaphore, #tpu.memory_space<semaphore_mem>>
      %dma_start3A_171 = arith.constant 0 : i32
      %dma_start3A_172 = arith.constant 0 : i32
      %dma_start3A_173 = tpu.memref_slice %arg3[%add3A, %dma_start3A_171, %dma_start3A_172] : memref<32x200x128xi32, #tpu.memory_space<hbm>> -> memref<1x200x128xi32, #tpu.memory_space<hbm>>
      %dma_start3A_174 = tpu.memref_squeeze %dma_start3A_173 : memref<1x200x128xi32, #tpu.memory_space<hbm>> -> memref<200x128xi32, #tpu.memory_space<hbm>>
      %dma_start3A_175 = arith.constant 0 : i32
      %dma_start3A_176 = arith.constant 0 : i32
      %dma_start3A_177 = tpu.memref_slice %arg3[%add3A, %dma_start3A_175, %dma_start3A_176] : memref<32x200x128xi32, #tpu.memory_space<hbm>> -> memref<1x200x128xi32, #tpu.memory_space<hbm>>
      %dma_start3A_178 = tpu.memref_squeeze %dma_start3A_177 : memref<1x200x128xi32, #tpu.memory_space<hbm>> -> memref<200x128xi32, #tpu.memory_space<hbm>>
      tpu.enqueue_dma source(%dma_start3A_178 : memref<200x128xi32, #tpu.memory_space<hbm>>) target(%arg8 : memref<200x128xi32, #tpu.memory_space<vmem>>) target_semaphore(%run_scoped3A : memref<!tpu.dma_semaphore, #tpu.memory_space<semaphore_mem>>)
      %dma_wait3A_179 = arith.constant 0 : i32
      %dma_wait3A_180 = arith.constant 0 : i32
      %dma_wait3A_181 = tpu.memref_slice %arg3[%add3A, %dma_wait3A_179, %dma_wait3A_180] : memref<32x200x128xi32, #tpu.memory_space<hbm>> -> memref<1x200x128xi32, #tpu.memory_space<hbm>>
      %dma_wait3A_182 = tpu.memref_squeeze %dma_wait3A_181 : memref<1x200x128xi32, #tpu.memory_space<hbm>> -> memref<200x128xi32, #tpu.memory_space<hbm>>
      %dma_wait3A_183 = arith.constant 0 : i32
      %dma_wait3A_184 = arith.constant 0 : i32
      %dma_wait3A_185 = tpu.memref_slice %arg3[%add3A, %dma_wait3A_183, %dma_wait3A_184] : memref<32x200x128xi32, #tpu.memory_space<hbm>> -> memref<1x200x128xi32, #tpu.memory_space<hbm>>
      %dma_wait3A_186 = tpu.memref_squeeze %dma_wait3A_185 : memref<1x200x128xi32, #tpu.memory_space<hbm>> -> memref<200x128xi32, #tpu.memory_space<hbm>>
      tpu.wait_dma2 semaphore(%run_scoped3A : memref<!tpu.dma_semaphore, #tpu.memory_space<semaphore_mem>>) src(%dma_wait3A_186 : memref<200x128xi32, #tpu.memory_space<hbm>>) dst(%arg8 : memref<200x128xi32, #tpu.memory_space<vmem>>)
      tpu.yield
    }) : () -> ()
    %scan3A = arith.constant 0 : i32
    %scan3A_5 = arith.constant 200 : i32
    %scan3A_6 = arith.addi %scan3A, %scan3A_5 : i32
    %scan3A_7 = arith.constant 1 : i32
    scf.for %scan3A_171 = %scan3A to %scan3A_6 step %scan3A_7  : i32 {
      %mul3A_172 = arith.constant 1 : i32
      %mul3A_173 = arith.muli %scan3A_171, %mul3A_172 : i32
      %add3A_174 = arith.constant 0 : i32
      %add3A_175 = arith.addi %add3A_174, %mul3A_173 : i32
      %scan3A_176 = arith.constant 0 : i32
      %scan3A_177 = arith.constant 8 : i32
      %scan3A_178 = arith.addi %scan3A_176, %scan3A_177 : i32
      %scan3A_179 = arith.constant 1 : i32
      scf.for %scan3A_181 = %scan3A_176 to %scan3A_178 step %scan3A_179  : i32 {
        %mul3A_182 = arith.constant 1 : i32
        %mul3A_183 = arith.muli %scan3A_181, %mul3A_182 : i32
        %add3A_184 = arith.constant 0 : i32
        %add3A_185 = arith.addi %add3A_184, %mul3A_183 : i32
        %mul3A_186 = arith.constant 128 : i32
        %mul3A_187 = arith.muli %add3A_175, %mul3A_186 : i32
        %add3A_188 = arith.addi %mul3A_2, %mul3A_187 : i32
        %mul3A_189 = arith.constant 16 : i32
        %mul3A_190 = arith.muli %add3A_185, %mul3A_189 : i32
        %add3A_191 = arith.addi %add3A_188, %mul3A_190 : i32
        %iota3A = tpu.iota {dimensions = array<i32: 0>} : vector<16xi32>
        %add3A_192 = vector.broadcast %add3A_191 : i32 to vector<16xi32>
        %add3A_193 = arith.addi %add3A_192, %iota3A : vector<16xi32>
        %jit3A = arith.constant 200 : i32
        %eq3A_194 = arith.constant 0 : i32
        %eq3A_195 = arith.cmpi eq, %jit3A, %eq3A_194 : i32
        %jit3A_196 = arith.constant 1 : i32
        %select_n3A = arith.select %eq3A_195, %jit3A_196, %jit3A : i32
        %rem3A = vector.broadcast %select_n3A : i32 to vector<16xi32>
        %rem3A_197 = arith.remsi %add3A_193, %rem3A : vector<16xi32>
        %ne3A = arith.constant 0 : i32
        %ne3A_198 = vector.broadcast %ne3A : i32 to vector<16xi32>
        %ne3A_199 = arith.cmpi ne, %rem3A_197, %ne3A_198 : vector<16xi32>
        %lt3A = arith.constant 0 : i32
        %lt3A_200 = vector.broadcast %lt3A : i32 to vector<16xi32>
        %lt3A_201 = arith.cmpi slt, %rem3A_197, %lt3A_200 : vector<16xi32>
        %lt3A_202 = arith.constant 0 : i32
        %lt3A_203 = arith.cmpi slt, %select_n3A, %lt3A_202 : i32
        %ne3A_204 = vector.broadcast %lt3A_203 : i1 to vector<16xi1>
        %ne3A_205 = vector.broadcast %ne3A_204 : vector<16xi1> to vector<16xi1>
        %ne3A_206 = arith.xori %lt3A_201, %ne3A_205 : vector<16xi1>
        %and3A = arith.andi %ne3A_206, %ne3A_199 : vector<16xi1>
        %add3A_207 = vector.broadcast %select_n3A : i32 to vector<16xi32>
        %add3A_208 = arith.addi %rem3A_197, %add3A_207 : vector<16xi32>
        %select_n3A_209 = arith.select %and3A, %add3A_208, %rem3A_197 : vector<16xi1>, vector<16xi32>
        %mul3A_210 = arith.constant 16 : i32
        %mul3A_211 = arith.muli %add3A_185, %mul3A_210 : i32
        %mul3A_212 = arith.constant 3 : i32
        %mul3A_213 = vector.broadcast %mul3A_212 : i32 to vector<16xi32>
        %mul3A_214 = arith.muli %select_n3A_209, %mul3A_213 : vector<16xi32>
        %get3A = arith.index_cast %add3A_175 : i32 to index
        %get3A_215 = arith.index_cast %mul3A_211 : i32 to index
        %get3A_216 = tpu.vector_load %arg8[%get3A, %get3A_215] {strides = array<i32>} : memref<200x128xi32, #tpu.memory_space<vmem>>, vector<1x16xi32>,
        %get3A_217 = vector.shape_cast %get3A_216 : vector<1x16xi32> to vector<16xi32>
        %add3A_218 = arith.addi %mul3A_214, %get3A_217 : vector<16xi32>
        %swap3A = arith.index_cast %add3A_175 : i32 to index
        %swap3A_219 = arith.index_cast %mul3A_211 : i32 to index
        %swap3A_220 = tpu.vector_load %arg8[%swap3A, %swap3A_219] {strides = array<i32>} : memref<200x128xi32, #tpu.memory_space<vmem>>, vector<1x16xi32>,
        %swap3A_221 = vector.shape_cast %swap3A_220 : vector<1x16xi32> to vector<16xi32>
        %swap3A_222 = vector.shape_cast %add3A_218 : vector<16xi32> to vector<1x16xi32>
        tpu.vector_store %arg8[%swap3A, %swap3A_219], %swap3A_222 {strides = array<i32>} : memref<200x128xi32, #tpu.memory_space<vmem>>, vector<1x16xi32>,
      }
      %scan3A_180 = arith.constant 8 : i32
    }
    %scan3A_8 = arith.constant 200 : i32
    %barrier3A = arith.constant 0 : index
    tpu.barrier barrier_id(%barrier3A)
    %dma_start3A = arith.constant 0 : i32
    %dma_start3A_9 = arith.constant 0 : i32
    %dma_start3A_10 = tpu.memref_slice %arg8[%dma_start3A, %dma_start3A_9] : memref<200x128xi32, #tpu.memory_space<vmem>> -> memref<1x128xi32, #tpu.memory_space<vmem>>
    %dma_start3A_11 = tpu.memref_squeeze %dma_start3A_10 : memref<1x128xi32, #tpu.memory_space<vmem>> -> memref<128xi32, #tpu.memory_space<vmem>>
    %dma_start3A_12 = arith.constant 0 : i32
    %dma_start3A_13 = arith.constant 0 : i32
    %dma_start3A_14 = tpu.memref_slice %arg13[%dma_start3A_12, %dma_start3A_13] : memref<600x128xf32, #tpu.memory_space<vmem_shared>> -> memref<600x128xf32, #tpu.memory_space<vmem_shared>>
    tpu.enqueue_indirect_dma source(%dma_start3A_14 : memref<600x128xf32, #tpu.memory_space<vmem_shared>>) target(%arg9 : memref<128x128xf32, #tpu.memory_space<vmem>>) offsets(%dma_start3A_11 : memref<128xi32, #tpu.memory_space<vmem>>) semaphore(%arg14 : memref<!tpu.dma_semaphore, #tpu.memory_space<semaphore_mem>>)
    %dma_wait3A = arith.constant 0 : i32
    %dma_wait3A_15 = arith.constant 0 : i32
    %dma_wait3A_16 = tpu.memref_slice %arg8[%dma_wait3A, %dma_wait3A_15] : memref<200x128xi32, #tpu.memory_space<vmem>> -> memref<1x128xi32, #tpu.memory_space<vmem>>
    %dma_wait3A_17 = tpu.memref_squeeze %dma_wait3A_16 : memref<1x128xi32, #tpu.memory_space<vmem>> -> memref<128xi32, #tpu.memory_space<vmem>>
    %dma_wait3A_18 = arith.constant 0 : i32
    %dma_wait3A_19 = arith.constant 0 : i32
    %dma_wait3A_20 = tpu.memref_slice %arg13[%dma_wait3A_18, %dma_wait3A_19] : memref<600x128xf32, #tpu.memory_space<vmem_shared>> -> memref<600x128xf32, #tpu.memory_space<vmem_shared>>
    tpu.wait_indirect_dma semaphore(%arg14 : memref<!tpu.dma_semaphore, #tpu.memory_space<semaphore_mem>>) src(%dma_wait3A_20 : memref<600x128xf32, #tpu.memory_space<vmem_shared>>) dst(%arg9 : memref<128x128xf32, #tpu.memory_space<vmem>>)
    %dma_start3A_21 = arith.constant 0 : i32
    %dma_start3A_22 = arith.constant 0 : i32
    %dma_start3A_23 = tpu.memref_slice %arg7[%dma_start3A_21, %dma_start3A_22] : memref<200x128xi32, #tpu.memory_space<vmem>> -> memref<1x128xi32, #tpu.memory_space<vmem>>
    %dma_start3A_24 = tpu.memref_squeeze %dma_start3A_23 : memref<1x128xi32, #tpu.memory_space<vmem>> -> memref<128xi32, #tpu.memory_space<vmem>>
    %dma_start3A_25 = arith.constant 0 : i32
    %dma_start3A_26 = arith.constant 0 : i32
    %dma_start3A_27 = tpu.memref_slice %arg4[%dma_start3A_25, %dma_start3A_26] : memref<100000x128xf32, #tpu.memory_space<hbm>> -> memref<100000x128xf32, #tpu.memory_space<hbm>>
    tpu.enqueue_indirect_dma source(%dma_start3A_27 : memref<100000x128xf32, #tpu.memory_space<hbm>>) target(%arg9 : memref<128x128xf32, #tpu.memory_space<vmem>>) offsets(%dma_start3A_24 : memref<128xi32, #tpu.memory_space<vmem>>) semaphore(%arg18 : memref<!tpu.dma_semaphore, #tpu.memory_space<semaphore_mem>>) {add = true}
    %dma_start3A_28 = arith.constant 1 : i32
    %dma_start3A_29 = arith.constant 0 : i32
    %dma_start3A_30 = tpu.memref_slice %arg8[%dma_start3A_28, %dma_start3A_29] : memref<200x128xi32, #tpu.memory_space<vmem>> -> memref<1x128xi32, #tpu.memory_space<vmem>>
    %dma_start3A_31 = tpu.memref_squeeze %dma_start3A_30 : memref<1x128xi32, #tpu.memory_space<vmem>> -> memref<128xi32, #tpu.memory_space<vmem>>
    %dma_start3A_32 = arith.constant 0 : i32
    %dma_start3A_33 = arith.constant 0 : i32
    %dma_start3A_34 = tpu.memref_slice %arg13[%dma_start3A_32, %dma_start3A_33] : memref<600x128xf32, #tpu.memory_space<vmem_shared>> -> memref<600x128xf32, #tpu.memory_space<vmem_shared>>
    tpu.enqueue_indirect_dma source(%dma_start3A_34 : memref<600x128xf32, #tpu.memory_space<vmem_shared>>) target(%arg10 : memref<128x128xf32, #tpu.memory_space<vmem>>) offsets(%dma_start3A_31 : memref<128xi32, #tpu.memory_space<vmem>>) semaphore(%arg15 : memref<!tpu.dma_semaphore, #tpu.memory_space<semaphore_mem>>)
    %dma_wait3A_35 = arith.constant 0 : i32
    %dma_wait3A_36 = arith.constant 0 : i32
    %dma_wait3A_37 = tpu.memref_slice %arg8[%dma_wait3A_35, %dma_wait3A_36] : memref<200x128xi32, #tpu.memory_space<vmem>> -> memref<1x128xi32, #tpu.memory_space<vmem>>
    %dma_wait3A_38 = tpu.memref_squeeze %dma_wait3A_37 : memref<1x128xi32, #tpu.memory_space<vmem>> -> memref<128xi32, #tpu.memory_space<vmem>>
    %dma_wait3A_39 = arith.constant 0 : i32
    %dma_wait3A_40 = arith.constant 0 : i32
    %dma_wait3A_41 = tpu.memref_slice %arg13[%dma_wait3A_39, %dma_wait3A_40] : memref<600x128xf32, #tpu.memory_space<vmem_shared>> -> memref<600x128xf32, #tpu.memory_space<vmem_shared>>
    tpu.wait_indirect_dma semaphore(%arg15 : memref<!tpu.dma_semaphore, #tpu.memory_space<semaphore_mem>>) src(%dma_wait3A_41 : memref<600x128xf32, #tpu.memory_space<vmem_shared>>) dst(%arg10 : memref<128x128xf32, #tpu.memory_space<vmem>>)
    %dma_start3A_42 = arith.constant 1 : i32
    %dma_start3A_43 = arith.constant 0 : i32
    %dma_start3A_44 = tpu.memref_slice %arg7[%dma_start3A_42, %dma_start3A_43] : memref<200x128xi32, #tpu.memory_space<vmem>> -> memref<1x128xi32, #tpu.memory_space<vmem>>
    %dma_start3A_45 = tpu.memref_squeeze %dma_start3A_44 : memref<1x128xi32, #tpu.memory_space<vmem>> -> memref<128xi32, #tpu.memory_space<vmem>>
    %dma_start3A_46 = arith.constant 0 : i32
    %dma_start3A_47 = arith.constant 0 : i32
    %dma_start3A_48 = tpu.memref_slice %arg4[%dma_start3A_46, %dma_start3A_47] : memref<100000x128xf32, #tpu.memory_space<hbm>> -> memref<100000x128xf32, #tpu.memory_space<hbm>>
    tpu.enqueue_indirect_dma source(%dma_start3A_48 : memref<100000x128xf32, #tpu.memory_space<hbm>>) target(%arg10 : memref<128x128xf32, #tpu.memory_space<vmem>>) offsets(%dma_start3A_45 : memref<128xi32, #tpu.memory_space<vmem>>) semaphore(%arg19 : memref<!tpu.dma_semaphore, #tpu.memory_space<semaphore_mem>>) {add = true}
    %dma_wait3A_49 = arith.constant 0 : i32
    %dma_wait3A_50 = arith.constant 0 : i32
    %dma_wait3A_51 = tpu.memref_slice %arg7[%dma_wait3A_49, %dma_wait3A_50] : memref<200x128xi32, #tpu.memory_space<vmem>> -> memref<1x128xi32, #tpu.memory_space<vmem>>
    %dma_wait3A_52 = tpu.memref_squeeze %dma_wait3A_51 : memref<1x128xi32, #tpu.memory_space<vmem>> -> memref<128xi32, #tpu.memory_space<vmem>>
    %dma_wait3A_53 = arith.constant 0 : i32
    %dma_wait3A_54 = arith.constant 0 : i32
    %dma_wait3A_55 = tpu.memref_slice %arg4[%dma_wait3A_53, %dma_wait3A_54] : memref<100000x128xf32, #tpu.memory_space<hbm>> -> memref<100000x128xf32, #tpu.memory_space<hbm>>
    tpu.wait_indirect_dma semaphore(%arg18 : memref<!tpu.dma_semaphore, #tpu.memory_space<semaphore_mem>>) src(%dma_wait3A_55 : memref<100000x128xf32, #tpu.memory_space<hbm>>) dst(%arg9 : memref<128x128xf32, #tpu.memory_space<vmem>>)
    %add3A_56 = arith.constant 0 : i32
    %add3A_57 = arith.addi %mul3A_2, %add3A_56 : i32
    %dma_start3A_58 = arith.constant 0 : i32
    %dma_start3A_59 = tpu.memref_slice %arg6[%add3A_57, %dma_start3A_58] : memref<819200x128xf32, #tpu.memory_space<hbm>> -> memref<128x128xf32, #tpu.memory_space<hbm>>
    %dma_start3A_60 = arith.constant 0 : i32
    %dma_start3A_61 = tpu.memref_slice %arg6[%add3A_57, %dma_start3A_60] : memref<819200x128xf32, #tpu.memory_space<hbm>> -> memref<128x128xf32, #tpu.memory_space<hbm>>
    tpu.enqueue_dma source(%arg9 : memref<128x128xf32, #tpu.memory_space<vmem>>) target(%dma_start3A_61 : memref<128x128xf32, #tpu.memory_space<hbm>>) target_semaphore(%arg22 : memref<!tpu.dma_semaphore, #tpu.memory_space<semaphore_mem>>)
    %dma_start3A_62 = arith.constant 2 : i32
    %dma_start3A_63 = arith.constant 0 : i32
    %dma_start3A_64 = tpu.memref_slice %arg8[%dma_start3A_62, %dma_start3A_63] : memref<200x128xi32, #tpu.memory_space<vmem>> -> memref<1x128xi32, #tpu.memory_space<vmem>>
    %dma_start3A_65 = tpu.memref_squeeze %dma_start3A_64 : memref<1x128xi32, #tpu.memory_space<vmem>> -> memref<128xi32, #tpu.memory_space<vmem>>
    %dma_start3A_66 = arith.constant 0 : i32
    %dma_start3A_67 = arith.constant 0 : i32
    %dma_start3A_68 = tpu.memref_slice %arg13[%dma_start3A_66, %dma_start3A_67] : memref<600x128xf32, #tpu.memory_space<vmem_shared>> -> memref<600x128xf32, #tpu.memory_space<vmem_shared>>
    tpu.enqueue_indirect_dma source(%dma_start3A_68 : memref<600x128xf32, #tpu.memory_space<vmem_shared>>) target(%arg11 : memref<128x128xf32, #tpu.memory_space<vmem>>) offsets(%dma_start3A_65 : memref<128xi32, #tpu.memory_space<vmem>>) semaphore(%arg16 : memref<!tpu.dma_semaphore, #tpu.memory_space<semaphore_mem>>)
    %dma_wait3A_69 = arith.constant 0 : i32
    %dma_wait3A_70 = arith.constant 0 : i32
    %dma_wait3A_71 = tpu.memref_slice %arg8[%dma_wait3A_69, %dma_wait3A_70] : memref<200x128xi32, #tpu.memory_space<vmem>> -> memref<1x128xi32, #tpu.memory_space<vmem>>
    %dma_wait3A_72 = tpu.memref_squeeze %dma_wait3A_71 : memref<1x128xi32, #tpu.memory_space<vmem>> -> memref<128xi32, #tpu.memory_space<vmem>>
    %dma_wait3A_73 = arith.constant 0 : i32
    %dma_wait3A_74 = arith.constant 0 : i32
    %dma_wait3A_75 = tpu.memref_slice %arg13[%dma_wait3A_73, %dma_wait3A_74] : memref<600x128xf32, #tpu.memory_space<vmem_shared>> -> memref<600x128xf32, #tpu.memory_space<vmem_shared>>
    tpu.wait_indirect_dma semaphore(%arg16 : memref<!tpu.dma_semaphore, #tpu.memory_space<semaphore_mem>>) src(%dma_wait3A_75 : memref<600x128xf32, #tpu.memory_space<vmem_shared>>) dst(%arg11 : memref<128x128xf32, #tpu.memory_space<vmem>>)
    %dma_start3A_76 = arith.constant 2 : i32
    %dma_start3A_77 = arith.constant 0 : i32
    %dma_start3A_78 = tpu.memref_slice %arg7[%dma_start3A_76, %dma_start3A_77] : memref<200x128xi32, #tpu.memory_space<vmem>> -> memref<1x128xi32, #tpu.memory_space<vmem>>
    %dma_start3A_79 = tpu.memref_squeeze %dma_start3A_78 : memref<1x128xi32, #tpu.memory_space<vmem>> -> memref<128xi32, #tpu.memory_space<vmem>>
    %dma_start3A_80 = arith.constant 0 : i32
    %dma_start3A_81 = arith.constant 0 : i32
    %dma_start3A_82 = tpu.memref_slice %arg4[%dma_start3A_80, %dma_start3A_81] : memref<100000x128xf32, #tpu.memory_space<hbm>> -> memref<100000x128xf32, #tpu.memory_space<hbm>>
    tpu.enqueue_indirect_dma source(%dma_start3A_82 : memref<100000x128xf32, #tpu.memory_space<hbm>>) target(%arg11 : memref<128x128xf32, #tpu.memory_space<vmem>>) offsets(%dma_start3A_79 : memref<128xi32, #tpu.memory_space<vmem>>) semaphore(%arg20 : memref<!tpu.dma_semaphore, #tpu.memory_space<semaphore_mem>>) {add = true}
    %dma_wait3A_83 = arith.constant 0 : i32
    %dma_wait3A_84 = arith.constant 0 : i32
    %dma_wait3A_85 = tpu.memref_slice %arg7[%dma_wait3A_83, %dma_wait3A_84] : memref<200x128xi32, #tpu.memory_space<vmem>> -> memref<1x128xi32, #tpu.memory_space<vmem>>
    %dma_wait3A_86 = tpu.memref_squeeze %dma_wait3A_85 : memref<1x128xi32, #tpu.memory_space<vmem>> -> memref<128xi32, #tpu.memory_space<vmem>>
    %dma_wait3A_87 = arith.constant 0 : i32
    %dma_wait3A_88 = arith.constant 0 : i32
    %dma_wait3A_89 = tpu.memref_slice %arg4[%dma_wait3A_87, %dma_wait3A_88] : memref<100000x128xf32, #tpu.memory_space<hbm>> -> memref<100000x128xf32, #tpu.memory_space<hbm>>
    tpu.wait_indirect_dma semaphore(%arg19 : memref<!tpu.dma_semaphore, #tpu.memory_space<semaphore_mem>>) src(%dma_wait3A_89 : memref<100000x128xf32, #tpu.memory_space<hbm>>) dst(%arg10 : memref<128x128xf32, #tpu.memory_space<vmem>>)
    %add3A_90 = arith.constant 128 : i32
    %add3A_91 = arith.addi %mul3A_2, %add3A_90 : i32
    %dma_start3A_92 = arith.constant 0 : i32
    %dma_start3A_93 = tpu.memref_slice %arg6[%add3A_91, %dma_start3A_92] : memref<819200x128xf32, #tpu.memory_space<hbm>> -> memref<128x128xf32, #tpu.memory_space<hbm>>
    %dma_start3A_94 = arith.constant 0 : i32
    %dma_start3A_95 = tpu.memref_slice %arg6[%add3A_91, %dma_start3A_94] : memref<819200x128xf32, #tpu.memory_space<hbm>> -> memref<128x128xf32, #tpu.memory_space<hbm>>
    tpu.enqueue_dma source(%arg10 : memref<128x128xf32, #tpu.memory_space<vmem>>) target(%dma_start3A_95 : memref<128x128xf32, #tpu.memory_space<hbm>>) target_semaphore(%arg23 : memref<!tpu.dma_semaphore, #tpu.memory_space<semaphore_mem>>)
    %dma_start3A_96 = arith.constant 3 : i32
    %dma_start3A_97 = arith.constant 0 : i32
    %dma_start3A_98 = tpu.memref_slice %arg8[%dma_start3A_96, %dma_start3A_97] : memref<200x128xi32, #tpu.memory_space<vmem>> -> memref<1x128xi32, #tpu.memory_space<vmem>>
    %dma_start3A_99 = tpu.memref_squeeze %dma_start3A_98 : memref<1x128xi32, #tpu.memory_space<vmem>> -> memref<128xi32, #tpu.memory_space<vmem>>
    %dma_start3A_100 = arith.constant 0 : i32
    %dma_start3A_101 = arith.constant 0 : i32
    %dma_start3A_102 = tpu.memref_slice %arg13[%dma_start3A_100, %dma_start3A_101] : memref<600x128xf32, #tpu.memory_space<vmem_shared>> -> memref<600x128xf32, #tpu.memory_space<vmem_shared>>
    tpu.enqueue_indirect_dma source(%dma_start3A_102 : memref<600x128xf32, #tpu.memory_space<vmem_shared>>) target(%arg12 : memref<128x128xf32, #tpu.memory_space<vmem>>) offsets(%dma_start3A_99 : memref<128xi32, #tpu.memory_space<vmem>>) semaphore(%arg17 : memref<!tpu.dma_semaphore, #tpu.memory_space<semaphore_mem>>)
    %dma_wait3A_103 = arith.constant 0 : i32
    %dma_wait3A_104 = arith.constant 0 : i32
    %dma_wait3A_105 = tpu.memref_slice %arg8[%dma_wait3A_103, %dma_wait3A_104] : memref<200x128xi32, #tpu.memory_space<vmem>> -> memref<1x128xi32, #tpu.memory_space<vmem>>
    %dma_wait3A_106 = tpu.memref_squeeze %dma_wait3A_105 : memref<1x128xi32, #tpu.memory_space<vmem>> -> memref<128xi32, #tpu.memory_space<vmem>>
    %dma_wait3A_107 = arith.constant 0 : i32
    %dma_wait3A_108 = arith.constant 0 : i32
    %dma_wait3A_109 = tpu.memref_slice %arg13[%dma_wait3A_107, %dma_wait3A_108] : memref<600x128xf32, #tpu.memory_space<vmem_shared>> -> memref<600x128xf32, #tpu.memory_space<vmem_shared>>
    tpu.wait_indirect_dma semaphore(%arg17 : memref<!tpu.dma_semaphore, #tpu.memory_space<semaphore_mem>>) src(%dma_wait3A_109 : memref<600x128xf32, #tpu.memory_space<vmem_shared>>) dst(%arg12 : memref<128x128xf32, #tpu.memory_space<vmem>>)
    %dma_start3A_110 = arith.constant 3 : i32
    %dma_start3A_111 = arith.constant 0 : i32
    %dma_start3A_112 = tpu.memref_slice %arg7[%dma_start3A_110, %dma_start3A_111] : memref<200x128xi32, #tpu.memory_space<vmem>> -> memref<1x128xi32, #tpu.memory_space<vmem>>
    %dma_start3A_113 = tpu.memref_squeeze %dma_start3A_112 : memref<1x128xi32, #tpu.memory_space<vmem>> -> memref<128xi32, #tpu.memory_space<vmem>>
    %dma_start3A_114 = arith.constant 0 : i32
    %dma_start3A_115 = arith.constant 0 : i32
    %dma_start3A_116 = tpu.memref_slice %arg4[%dma_start3A_114, %dma_start3A_115] : memref<100000x128xf32, #tpu.memory_space<hbm>> -> memref<100000x128xf32, #tpu.memory_space<hbm>>
    tpu.enqueue_indirect_dma source(%dma_start3A_116 : memref<100000x128xf32, #tpu.memory_space<hbm>>) target(%arg12 : memref<128x128xf32, #tpu.memory_space<vmem>>) offsets(%dma_start3A_113 : memref<128xi32, #tpu.memory_space<vmem>>) semaphore(%arg21 : memref<!tpu.dma_semaphore, #tpu.memory_space<semaphore_mem>>) {add = true}
    %dma_wait3A_117 = arith.constant 0 : i32
    %dma_wait3A_118 = arith.constant 0 : i32
    %dma_wait3A_119 = tpu.memref_slice %arg7[%dma_wait3A_117, %dma_wait3A_118] : memref<200x128xi32, #tpu.memory_space<vmem>> -> memref<1x128xi32, #tpu.memory_space<vmem>>
    %dma_wait3A_120 = tpu.memref_squeeze %dma_wait3A_119 : memref<1x128xi32, #tpu.memory_space<vmem>> -> memref<128xi32, #tpu.memory_space<vmem>>
    %dma_wait3A_121 = arith.constant 0 : i32
    %dma_wait3A_122 = arith.constant 0 : i32
    %dma_wait3A_123 = tpu.memref_slice %arg4[%dma_wait3A_121, %dma_wait3A_122] : memref<100000x128xf32, #tpu.memory_space<hbm>> -> memref<100000x128xf32, #tpu.memory_space<hbm>>
    tpu.wait_indirect_dma semaphore(%arg20 : memref<!tpu.dma_semaphore, #tpu.memory_space<semaphore_mem>>) src(%dma_wait3A_123 : memref<100000x128xf32, #tpu.memory_space<hbm>>) dst(%arg11 : memref<128x128xf32, #tpu.memory_space<vmem>>)
    %add3A_124 = arith.constant 256 : i32
    %add3A_125 = arith.addi %mul3A_2, %add3A_124 : i32
    %dma_start3A_126 = arith.constant 0 : i32
    %dma_start3A_127 = tpu.memref_slice %arg6[%add3A_125, %dma_start3A_126] : memref<819200x128xf32, #tpu.memory_space<hbm>> -> memref<128x128xf32, #tpu.memory_space<hbm>>
    %dma_start3A_128 = arith.constant 0 : i32
    %dma_start3A_129 = tpu.memref_slice %arg6[%add3A_125, %dma_start3A_128] : memref<819200x128xf32, #tpu.memory_space<hbm>> -> memref<128x128xf32, #tpu.memory_space<hbm>>
    tpu.enqueue_dma source(%arg11 : memref<128x128xf32, #tpu.memory_space<vmem>>) target(%dma_start3A_129 : memref<128x128xf32, #tpu.memory_space<hbm>>) target_semaphore(%arg24 : memref<!tpu.dma_semaphore, #tpu.memory_space<semaphore_mem>>)
    %dma_wait3A_130 = arith.constant 0 : i32
    %dma_wait3A_131 = tpu.memref_slice %arg6[%mul3A_2, %dma_wait3A_130] : memref<819200x128xf32, #tpu.memory_space<hbm>> -> memref<128x128xf32, #tpu.memory_space<hbm>>
    %dma_wait3A_132 = arith.constant 0 : i32
    %dma_wait3A_133 = tpu.memref_slice %arg6[%mul3A_2, %dma_wait3A_132] : memref<819200x128xf32, #tpu.memory_space<hbm>> -> memref<128x128xf32, #tpu.memory_space<hbm>>
    tpu.wait_dma2 semaphore(%arg22 : memref<!tpu.dma_semaphore, #tpu.memory_space<semaphore_mem>>) src(%arg9 : memref<128x128xf32, #tpu.memory_space<vmem>>) dst(%dma_wait3A_133 : memref<128x128xf32, #tpu.memory_space<hbm>>)
    %dma_start3A_134 = arith.constant 4 : i32
    %dma_start3A_135 = arith.constant 0 : i32
    %dma_start3A_136 = tpu.memref_slice %arg8[%dma_start3A_134, %dma_start3A_135] : memref<200x128xi32, #tpu.memory_space<vmem>> -> memref<1x128xi32, #tpu.memory_space<vmem>>
    %dma_start3A_137 = tpu.memref_squeeze %dma_start3A_136 : memref<1x128xi32, #tpu.memory_space<vmem>> -> memref<128xi32, #tpu.memory_space<vmem>>
    %dma_start3A_138 = arith.constant 0 : i32
    %dma_start3A_139 = arith.constant 0 : i32
    %dma_start3A_140 = tpu.memref_slice %arg13[%dma_start3A_138, %dma_start3A_139] : memref<600x128xf32, #tpu.memory_space<vmem_shared>> -> memref<600x128xf32, #tpu.memory_space<vmem_shared>>
    tpu.enqueue_indirect_dma source(%dma_start3A_140 : memref<600x128xf32, #tpu.memory_space<vmem_shared>>) target(%arg9 : memref<128x128xf32, #tpu.memory_space<vmem>>) offsets(%dma_start3A_137 : memref<128xi32, #tpu.memory_space<vmem>>) semaphore(%arg14 : memref<!tpu.dma_semaphore, #tpu.memory_space<semaphore_mem>>)
    %scan3A_141 = arith.constant 0 : i32
    %scan3A_142 = arith.constant 49 : i32
    %scan3A_143 = arith.addi %scan3A_141, %scan3A_142 : i32
    %scan3A_144 = arith.constant 1 : i32
    scf.for %scan3A_171 = %scan3A_141 to %scan3A_143 step %scan3A_144  : i32 {
      %mul3A_172 = arith.constant 1 : i32
      %mul3A_173 = arith.muli %scan3A_171, %mul3A_172 : i32
      %add3A_174 = arith.constant 1 : i32
      %add3A_175 = arith.addi %add3A_174, %mul3A_173 : i32
      %mul3A_176 = arith.constant 4 : i32
      %mul3A_177 = arith.muli %mul3A_176, %add3A_175 : i32
      %add3A_178 = arith.constant 0 : i32
      %add3A_179 = arith.addi %mul3A_177, %add3A_178 : i32
      %dma_wait3A_180 = arith.constant 0 : i32
      %dma_wait3A_181 = arith.constant 0 : i32
      %dma_wait3A_182 = tpu.memref_slice %arg8[%dma_wait3A_180, %dma_wait3A_181] : memref<200x128xi32, #tpu.memory_space<vmem>> -> memref<1x128xi32, #tpu.memory_space<vmem>>
      %dma_wait3A_183 = tpu.memref_squeeze %dma_wait3A_182 : memref<1x128xi32, #tpu.memory_space<vmem>> -> memref<128xi32, #tpu.memory_space<vmem>>
      %dma_wait3A_184 = arith.constant 0 : i32
      %dma_wait3A_185 = arith.constant 0 : i32
      %dma_wait3A_186 = tpu.memref_slice %arg13[%dma_wait3A_184, %dma_wait3A_185] : memref<600x128xf32, #tpu.memory_space<vmem_shared>> -> memref<600x128xf32, #tpu.memory_space<vmem_shared>>
      tpu.wait_indirect_dma semaphore(%arg14 : memref<!tpu.dma_semaphore, #tpu.memory_space<semaphore_mem>>) src(%dma_wait3A_186 : memref<600x128xf32, #tpu.memory_space<vmem_shared>>) dst(%arg9 : memref<128x128xf32, #tpu.memory_space<vmem>>)
      %dma_start3A_187 = arith.constant 0 : i32
      %dma_start3A_188 = tpu.memref_slice %arg7[%add3A_179, %dma_start3A_187] : memref<200x128xi32, #tpu.memory_space<vmem>> -> memref<1x128xi32, #tpu.memory_space<vmem>>
      %dma_start3A_189 = tpu.memref_squeeze %dma_start3A_188 : memref<1x128xi32, #tpu.memory_space<vmem>> -> memref<128xi32, #tpu.memory_space<vmem>>
      %dma_start3A_190 = arith.constant 0 : i32
      %dma_start3A_191 = arith.constant 0 : i32
      %dma_start3A_192 = tpu.memref_slice %arg4[%dma_start3A_190, %dma_start3A_191] : memref<100000x128xf32, #tpu.memory_space<hbm>> -> memref<100000x128xf32, #tpu.memory_space<hbm>>
      tpu.enqueue_indirect_dma source(%dma_start3A_192 : memref<100000x128xf32, #tpu.memory_space<hbm>>) target(%arg9 : memref<128x128xf32, #tpu.memory_space<vmem>>) offsets(%dma_start3A_189 : memref<128xi32, #tpu.memory_space<vmem>>) semaphore(%arg18 : memref<!tpu.dma_semaphore, #tpu.memory_space<semaphore_mem>>) {add = true}
      %dma_wait3A_193 = arith.constant 0 : i32
      %dma_wait3A_194 = arith.constant 0 : i32
      %dma_wait3A_195 = tpu.memref_slice %arg7[%dma_wait3A_193, %dma_wait3A_194] : memref<200x128xi32, #tpu.memory_space<vmem>> -> memref<1x128xi32, #tpu.memory_space<vmem>>
      %dma_wait3A_196 = tpu.memref_squeeze %dma_wait3A_195 : memref<1x128xi32, #tpu.memory_space<vmem>> -> memref<128xi32, #tpu.memory_space<vmem>>
      %dma_wait3A_197 = arith.constant 0 : i32
      %dma_wait3A_198 = arith.constant 0 : i32
      %dma_wait3A_199 = tpu.memref_slice %arg4[%dma_wait3A_197, %dma_wait3A_198] : memref<100000x128xf32, #tpu.memory_space<hbm>> -> memref<100000x128xf32, #tpu.memory_space<hbm>>
      tpu.wait_indirect_dma semaphore(%arg21 : memref<!tpu.dma_semaphore, #tpu.memory_space<semaphore_mem>>) src(%dma_wait3A_199 : memref<100000x128xf32, #tpu.memory_space<hbm>>) dst(%arg12 : memref<128x128xf32, #tpu.memory_space<vmem>>)
      %sub3A = arith.constant 1 : i32
      %sub3A_200 = arith.subi %add3A_179, %sub3A : i32
      %mul3A_201 = arith.constant 128 : i32
      %mul3A_202 = arith.muli %sub3A_200, %mul3A_201 : i32
      %add3A_203 = arith.addi %mul3A_2, %mul3A_202 : i32
      %dma_start3A_204 = arith.constant 0 : i32
      %dma_start3A_205 = tpu.memref_slice %arg6[%add3A_203, %dma_start3A_204] : memref<819200x128xf32, #tpu.memory_space<hbm>> -> memref<128x128xf32, #tpu.memory_space<hbm>>
      %dma_start3A_206 = arith.constant 0 : i32
      %dma_start3A_207 = tpu.memref_slice %arg6[%add3A_203, %dma_start3A_206] : memref<819200x128xf32, #tpu.memory_space<hbm>> -> memref<128x128xf32, #tpu.memory_space<hbm>>
      tpu.enqueue_dma source(%arg12 : memref<128x128xf32, #tpu.memory_space<vmem>>) target(%dma_start3A_207 : memref<128x128xf32, #tpu.memory_space<hbm>>) target_semaphore(%arg25 : memref<!tpu.dma_semaphore, #tpu.memory_space<semaphore_mem>>)
      %dma_wait3A_208 = arith.constant 0 : i32
      %dma_wait3A_209 = tpu.memref_slice %arg6[%mul3A_2, %dma_wait3A_208] : memref<819200x128xf32, #tpu.memory_space<hbm>> -> memref<128x128xf32, #tpu.memory_space<hbm>>
      %dma_wait3A_210 = arith.constant 0 : i32
      %dma_wait3A_211 = tpu.memref_slice %arg6[%mul3A_2, %dma_wait3A_210] : memref<819200x128xf32, #tpu.memory_space<hbm>> -> memref<128x128xf32, #tpu.memory_space<hbm>>
      tpu.wait_dma2 semaphore(%arg23 : memref<!tpu.dma_semaphore, #tpu.memory_space<semaphore_mem>>) src(%arg10 : memref<128x128xf32, #tpu.memory_space<vmem>>) dst(%dma_wait3A_211 : memref<128x128xf32, #tpu.memory_space<hbm>>)
      %add3A_212 = arith.constant 1 : i32
      %add3A_213 = arith.addi %add3A_179, %add3A_212 : i32
      %lt3A = arith.constant 200 : i32
      %lt3A_214 = arith.cmpi slt, %add3A_213, %lt3A : i32
      %convert_element_type3A_215 = arith.extui %lt3A_214 : i1 to i32
      %cond3A_216 = arith.constant 0 : i32
      %cond3A_217 = arith.cmpi ne, %convert_element_type3A_215, %cond3A_216 : i32
      scf.if %cond3A_217 {
        %add3A_350 = arith.constant 1 : i32
        %add3A_351 = arith.addi %add3A_179, %add3A_350 : i32
        %dma_start3A_352 = arith.constant 0 : i32
        %dma_start3A_353 = tpu.memref_slice %arg8[%add3A_351, %dma_start3A_352] : memref<200x128xi32, #tpu.memory_space<vmem>> -> memref<1x128xi32, #tpu.memory_space<vmem>>
        %dma_start3A_354 = tpu.memref_squeeze %dma_start3A_353 : memref<1x128xi32, #tpu.memory_space<vmem>> -> memref<128xi32, #tpu.memory_space<vmem>>
        %dma_start3A_355 = arith.constant 0 : i32
        %dma_start3A_356 = arith.constant 0 : i32
        %dma_start3A_357 = tpu.memref_slice %arg13[%dma_start3A_355, %dma_start3A_356] : memref<600x128xf32, #tpu.memory_space<vmem_shared>> -> memref<600x128xf32, #tpu.memory_space<vmem_shared>>
        tpu.enqueue_indirect_dma source(%dma_start3A_357 : memref<600x128xf32, #tpu.memory_space<vmem_shared>>) target(%arg10 : memref<128x128xf32, #tpu.memory_space<vmem>>) offsets(%dma_start3A_354 : memref<128xi32, #tpu.memory_space<vmem>>) semaphore(%arg15 : memref<!tpu.dma_semaphore, #tpu.memory_space<semaphore_mem>>)
      } else {
      }
      %mul3A_218 = arith.constant 4 : i32
      %mul3A_219 = arith.muli %mul3A_218, %add3A_175 : i32
      %add3A_220 = arith.constant 1 : i32
      %add3A_221 = arith.addi %mul3A_219, %add3A_220 : i32
      %dma_wait3A_222 = arith.constant 0 : i32
      %dma_wait3A_223 = arith.constant 0 : i32
      %dma_wait3A_224 = tpu.memref_slice %arg8[%dma_wait3A_222, %dma_wait3A_223] : memref<200x128xi32, #tpu.memory_space<vmem>> -> memref<1x128xi32, #tpu.memory_space<vmem>>
      %dma_wait3A_225 = tpu.memref_squeeze %dma_wait3A_224 : memref<1x128xi32, #tpu.memory_space<vmem>> -> memref<128xi32, #tpu.memory_space<vmem>>
      %dma_wait3A_226 = arith.constant 0 : i32
      %dma_wait3A_227 = arith.constant 0 : i32
      %dma_wait3A_228 = tpu.memref_slice %arg13[%dma_wait3A_226, %dma_wait3A_227] : memref<600x128xf32, #tpu.memory_space<vmem_shared>> -> memref<600x128xf32, #tpu.memory_space<vmem_shared>>
      tpu.wait_indirect_dma semaphore(%arg15 : memref<!tpu.dma_semaphore, #tpu.memory_space<semaphore_mem>>) src(%dma_wait3A_228 : memref<600x128xf32, #tpu.memory_space<vmem_shared>>) dst(%arg10 : memref<128x128xf32, #tpu.memory_space<vmem>>)
      %dma_start3A_229 = arith.constant 0 : i32
      %dma_start3A_230 = tpu.memref_slice %arg7[%add3A_221, %dma_start3A_229] : memref<200x128xi32, #tpu.memory_space<vmem>> -> memref<1x128xi32, #tpu.memory_space<vmem>>
      %dma_start3A_231 = tpu.memref_squeeze %dma_start3A_230 : memref<1x128xi32, #tpu.memory_space<vmem>> -> memref<128xi32, #tpu.memory_space<vmem>>
      %dma_start3A_232 = arith.constant 0 : i32
      %dma_start3A_233 = arith.constant 0 : i32
      %dma_start3A_234 = tpu.memref_slice %arg4[%dma_start3A_232, %dma_start3A_233] : memref<100000x128xf32, #tpu.memory_space<hbm>> -> memref<100000x128xf32, #tpu.memory_space<hbm>>
      tpu.enqueue_indirect_dma source(%dma_start3A_234 : memref<100000x128xf32, #tpu.memory_space<hbm>>) target(%arg10 : memref<128x128xf32, #tpu.memory_space<vmem>>) offsets(%dma_start3A_231 : memref<128xi32, #tpu.memory_space<vmem>>) semaphore(%arg19 : memref<!tpu.dma_semaphore, #tpu.memory_space<semaphore_mem>>) {add = true}
      %dma_wait3A_235 = arith.constant 0 : i32
      %dma_wait3A_236 = arith.constant 0 : i32
      %dma_wait3A_237 = tpu.memref_slice %arg7[%dma_wait3A_235, %dma_wait3A_236] : memref<200x128xi32, #tpu.memory_space<vmem>> -> memref<1x128xi32, #tpu.memory_space<vmem>>
      %dma_wait3A_238 = tpu.memref_squeeze %dma_wait3A_237 : memref<1x128xi32, #tpu.memory_space<vmem>> -> memref<128xi32, #tpu.memory_space<vmem>>
      %dma_wait3A_239 = arith.constant 0 : i32
      %dma_wait3A_240 = arith.constant 0 : i32
      %dma_wait3A_241 = tpu.memref_slice %arg4[%dma_wait3A_239, %dma_wait3A_240] : memref<100000x128xf32, #tpu.memory_space<hbm>> -> memref<100000x128xf32, #tpu.memory_space<hbm>>
      tpu.wait_indirect_dma semaphore(%arg18 : memref<!tpu.dma_semaphore, #tpu.memory_space<semaphore_mem>>) src(%dma_wait3A_241 : memref<100000x128xf32, #tpu.memory_space<hbm>>) dst(%arg9 : memref<128x128xf32, #tpu.memory_space<vmem>>)
      %sub3A_242 = arith.constant 1 : i32
      %sub3A_243 = arith.subi %add3A_221, %sub3A_242 : i32
      %mul3A_244 = arith.constant 128 : i32
      %mul3A_245 = arith.muli %sub3A_243, %mul3A_244 : i32
      %add3A_246 = arith.addi %mul3A_2, %mul3A_245 : i32
      %dma_start3A_247 = arith.constant 0 : i32
      %dma_start3A_248 = tpu.memref_slice %arg6[%add3A_246, %dma_start3A_247] : memref<819200x128xf32, #tpu.memory_space<hbm>> -> memref<128x128xf32, #tpu.memory_space<hbm>>
      %dma_start3A_249 = arith.constant 0 : i32
      %dma_start3A_250 = tpu.memref_slice %arg6[%add3A_246, %dma_start3A_249] : memref<819200x128xf32, #tpu.memory_space<hbm>> -> memref<128x128xf32, #tpu.memory_space<hbm>>
      tpu.enqueue_dma source(%arg9 : memref<128x128xf32, #tpu.memory_space<vmem>>) target(%dma_start3A_250 : memref<128x128xf32, #tpu.memory_space<hbm>>) target_semaphore(%arg22 : memref<!tpu.dma_semaphore, #tpu.memory_space<semaphore_mem>>)
      %dma_wait3A_251 = arith.constant 0 : i32
      %dma_wait3A_252 = tpu.memref_slice %arg6[%mul3A_2, %dma_wait3A_251] : memref<819200x128xf32, #tpu.memory_space<hbm>> -> memref<128x128xf32, #tpu.memory_space<hbm>>
      %dma_wait3A_253 = arith.constant 0 : i32
      %dma_wait3A_254 = tpu.memref_slice %arg6[%mul3A_2, %dma_wait3A_253] : memref<819200x128xf32, #tpu.memory_space<hbm>> -> memref<128x128xf32, #tpu.memory_space<hbm>>
      tpu.wait_dma2 semaphore(%arg24 : memref<!tpu.dma_semaphore, #tpu.memory_space<semaphore_mem>>) src(%arg11 : memref<128x128xf32, #tpu.memory_space<vmem>>) dst(%dma_wait3A_254 : memref<128x128xf32, #tpu.memory_space<hbm>>)
      %add3A_255 = arith.constant 1 : i32
      %add3A_256 = arith.addi %add3A_221, %add3A_255 : i32
      %lt3A_257 = arith.constant 200 : i32
      %lt3A_258 = arith.cmpi slt, %add3A_256, %lt3A_257 : i32
      %convert_element_type3A_259 = arith.extui %lt3A_258 : i1 to i32
      %cond3A_260 = arith.constant 0 : i32
      %cond3A_261 = arith.cmpi ne, %convert_element_type3A_259, %cond3A_260 : i32
      scf.if %cond3A_261 {
        %add3A_350 = arith.constant 1 : i32
        %add3A_351 = arith.addi %add3A_221, %add3A_350 : i32
        %dma_start3A_352 = arith.constant 0 : i32
        %dma_start3A_353 = tpu.memref_slice %arg8[%add3A_351, %dma_start3A_352] : memref<200x128xi32, #tpu.memory_space<vmem>> -> memref<1x128xi32, #tpu.memory_space<vmem>>
        %dma_start3A_354 = tpu.memref_squeeze %dma_start3A_353 : memref<1x128xi32, #tpu.memory_space<vmem>> -> memref<128xi32, #tpu.memory_space<vmem>>
        %dma_start3A_355 = arith.constant 0 : i32
        %dma_start3A_356 = arith.constant 0 : i32
        %dma_start3A_357 = tpu.memref_slice %arg13[%dma_start3A_355, %dma_start3A_356] : memref<600x128xf32, #tpu.memory_space<vmem_shared>> -> memref<600x128xf32, #tpu.memory_space<vmem_shared>>
        tpu.enqueue_indirect_dma source(%dma_start3A_357 : memref<600x128xf32, #tpu.memory_space<vmem_shared>>) target(%arg11 : memref<128x128xf32, #tpu.memory_space<vmem>>) offsets(%dma_start3A_354 : memref<128xi32, #tpu.memory_space<vmem>>) semaphore(%arg16 : memref<!tpu.dma_semaphore, #tpu.memory_space<semaphore_mem>>)
      } else {
      }
      %mul3A_262 = arith.constant 4 : i32
      %mul3A_263 = arith.muli %mul3A_262, %add3A_175 : i32
      %add3A_264 = arith.constant 2 : i32
      %add3A_265 = arith.addi %mul3A_263, %add3A_264 : i32
      %dma_wait3A_266 = arith.constant 0 : i32
      %dma_wait3A_267 = arith.constant 0 : i32
      %dma_wait3A_268 = tpu.memref_slice %arg8[%dma_wait3A_266, %dma_wait3A_267] : memref<200x128xi32, #tpu.memory_space<vmem>> -> memref<1x128xi32, #tpu.memory_space<vmem>>
      %dma_wait3A_269 = tpu.memref_squeeze %dma_wait3A_268 : memref<1x128xi32, #tpu.memory_space<vmem>> -> memref<128xi32, #tpu.memory_space<vmem>>
      %dma_wait3A_270 = arith.constant 0 : i32
      %dma_wait3A_271 = arith.constant 0 : i32
      %dma_wait3A_272 = tpu.memref_slice %arg13[%dma_wait3A_270, %dma_wait3A_271] : memref<600x128xf32, #tpu.memory_space<vmem_shared>> -> memref<600x128xf32, #tpu.memory_space<vmem_shared>>
      tpu.wait_indirect_dma semaphore(%arg16 : memref<!tpu.dma_semaphore, #tpu.memory_space<semaphore_mem>>) src(%dma_wait3A_272 : memref<600x128xf32, #tpu.memory_space<vmem_shared>>) dst(%arg11 : memref<128x128xf32, #tpu.memory_space<vmem>>)
      %dma_start3A_273 = arith.constant 0 : i32
      %dma_start3A_274 = tpu.memref_slice %arg7[%add3A_265, %dma_start3A_273] : memref<200x128xi32, #tpu.memory_space<vmem>> -> memref<1x128xi32, #tpu.memory_space<vmem>>
      %dma_start3A_275 = tpu.memref_squeeze %dma_start3A_274 : memref<1x128xi32, #tpu.memory_space<vmem>> -> memref<128xi32, #tpu.memory_space<vmem>>
      %dma_start3A_276 = arith.constant 0 : i32
      %dma_start3A_277 = arith.constant 0 : i32
      %dma_start3A_278 = tpu.memref_slice %arg4[%dma_start3A_276, %dma_start3A_277] : memref<100000x128xf32, #tpu.memory_space<hbm>> -> memref<100000x128xf32, #tpu.memory_space<hbm>>
      tpu.enqueue_indirect_dma source(%dma_start3A_278 : memref<100000x128xf32, #tpu.memory_space<hbm>>) target(%arg11 : memref<128x128xf32, #tpu.memory_space<vmem>>) offsets(%dma_start3A_275 : memref<128xi32, #tpu.memory_space<vmem>>) semaphore(%arg20 : memref<!tpu.dma_semaphore, #tpu.memory_space<semaphore_mem>>) {add = true}
      %dma_wait3A_279 = arith.constant 0 : i32
      %dma_wait3A_280 = arith.constant 0 : i32
      %dma_wait3A_281 = tpu.memref_slice %arg7[%dma_wait3A_279, %dma_wait3A_280] : memref<200x128xi32, #tpu.memory_space<vmem>> -> memref<1x128xi32, #tpu.memory_space<vmem>>
      %dma_wait3A_282 = tpu.memref_squeeze %dma_wait3A_281 : memref<1x128xi32, #tpu.memory_space<vmem>> -> memref<128xi32, #tpu.memory_space<vmem>>
      %dma_wait3A_283 = arith.constant 0 : i32
      %dma_wait3A_284 = arith.constant 0 : i32
      %dma_wait3A_285 = tpu.memref_slice %arg4[%dma_wait3A_283, %dma_wait3A_284] : memref<100000x128xf32, #tpu.memory_space<hbm>> -> memref<100000x128xf32, #tpu.memory_space<hbm>>
      tpu.wait_indirect_dma semaphore(%arg19 : memref<!tpu.dma_semaphore, #tpu.memory_space<semaphore_mem>>) src(%dma_wait3A_285 : memref<100000x128xf32, #tpu.memory_space<hbm>>) dst(%arg10 : memref<128x128xf32, #tpu.memory_space<vmem>>)
      %sub3A_286 = arith.constant 1 : i32
      %sub3A_287 = arith.subi %add3A_265, %sub3A_286 : i32
      %mul3A_288 = arith.constant 128 : i32
      %mul3A_289 = arith.muli %sub3A_287, %mul3A_288 : i32
      %add3A_290 = arith.addi %mul3A_2, %mul3A_289 : i32
      %dma_start3A_291 = arith.constant 0 : i32
      %dma_start3A_292 = tpu.memref_slice %arg6[%add3A_290, %dma_start3A_291] : memref<819200x128xf32, #tpu.memory_space<hbm>> -> memref<128x128xf32, #tpu.memory_space<hbm>>
      %dma_start3A_293 = arith.constant 0 : i32
      %dma_start3A_294 = tpu.memref_slice %arg6[%add3A_290, %dma_start3A_293] : memref<819200x128xf32, #tpu.memory_space<hbm>> -> memref<128x128xf32, #tpu.memory_space<hbm>>
      tpu.enqueue_dma source(%arg10 : memref<128x128xf32, #tpu.memory_space<vmem>>) target(%dma_start3A_294 : memref<128x128xf32, #tpu.memory_space<hbm>>) target_semaphore(%arg23 : memref<!tpu.dma_semaphore, #tpu.memory_space<semaphore_mem>>)
      %dma_wait3A_295 = arith.constant 0 : i32
      %dma_wait3A_296 = tpu.memref_slice %arg6[%mul3A_2, %dma_wait3A_295] : memref<819200x128xf32, #tpu.memory_space<hbm>> -> memref<128x128xf32, #tpu.memory_space<hbm>>
      %dma_wait3A_297 = arith.constant 0 : i32
      %dma_wait3A_298 = tpu.memref_slice %arg6[%mul3A_2, %dma_wait3A_297] : memref<819200x128xf32, #tpu.memory_space<hbm>> -> memref<128x128xf32, #tpu.memory_space<hbm>>
      tpu.wait_dma2 semaphore(%arg25 : memref<!tpu.dma_semaphore, #tpu.memory_space<semaphore_mem>>) src(%arg12 : memref<128x128xf32, #tpu.memory_space<vmem>>) dst(%dma_wait3A_298 : memref<128x128xf32, #tpu.memory_space<hbm>>)
      %add3A_299 = arith.constant 1 : i32
      %add3A_300 = arith.addi %add3A_265, %add3A_299 : i32
      %lt3A_301 = arith.constant 200 : i32
      %lt3A_302 = arith.cmpi slt, %add3A_300, %lt3A_301 : i32
      %convert_element_type3A_303 = arith.extui %lt3A_302 : i1 to i32
      %cond3A_304 = arith.constant 0 : i32
      %cond3A_305 = arith.cmpi ne, %convert_element_type3A_303, %cond3A_304 : i32
      scf.if %cond3A_305 {
        %add3A_350 = arith.constant 1 : i32
        %add3A_351 = arith.addi %add3A_265, %add3A_350 : i32
        %dma_start3A_352 = arith.constant 0 : i32
        %dma_start3A_353 = tpu.memref_slice %arg8[%add3A_351, %dma_start3A_352] : memref<200x128xi32, #tpu.memory_space<vmem>> -> memref<1x128xi32, #tpu.memory_space<vmem>>
        %dma_start3A_354 = tpu.memref_squeeze %dma_start3A_353 : memref<1x128xi32, #tpu.memory_space<vmem>> -> memref<128xi32, #tpu.memory_space<vmem>>
        %dma_start3A_355 = arith.constant 0 : i32
        %dma_start3A_356 = arith.constant 0 : i32
        %dma_start3A_357 = tpu.memref_slice %arg13[%dma_start3A_355, %dma_start3A_356] : memref<600x128xf32, #tpu.memory_space<vmem_shared>> -> memref<600x128xf32, #tpu.memory_space<vmem_shared>>
        tpu.enqueue_indirect_dma source(%dma_start3A_357 : memref<600x128xf32, #tpu.memory_space<vmem_shared>>) target(%arg12 : memref<128x128xf32, #tpu.memory_space<vmem>>) offsets(%dma_start3A_354 : memref<128xi32, #tpu.memory_space<vmem>>) semaphore(%arg17 : memref<!tpu.dma_semaphore, #tpu.memory_space<semaphore_mem>>)
      } else {
      }
      %mul3A_306 = arith.constant 4 : i32
      %mul3A_307 = arith.muli %mul3A_306, %add3A_175 : i32
      %add3A_308 = arith.constant 3 : i32
      %add3A_309 = arith.addi %mul3A_307, %add3A_308 : i32
      %dma_wait3A_310 = arith.constant 0 : i32
      %dma_wait3A_311 = arith.constant 0 : i32
      %dma_wait3A_312 = tpu.memref_slice %arg8[%dma_wait3A_310, %dma_wait3A_311] : memref<200x128xi32, #tpu.memory_space<vmem>> -> memref<1x128xi32, #tpu.memory_space<vmem>>
      %dma_wait3A_313 = tpu.memref_squeeze %dma_wait3A_312 : memref<1x128xi32, #tpu.memory_space<vmem>> -> memref<128xi32, #tpu.memory_space<vmem>>
      %dma_wait3A_314 = arith.constant 0 : i32
      %dma_wait3A_315 = arith.constant 0 : i32
      %dma_wait3A_316 = tpu.memref_slice %arg13[%dma_wait3A_314, %dma_wait3A_315] : memref<600x128xf32, #tpu.memory_space<vmem_shared>> -> memref<600x128xf32, #tpu.memory_space<vmem_shared>>
      tpu.wait_indirect_dma semaphore(%arg17 : memref<!tpu.dma_semaphore, #tpu.memory_space<semaphore_mem>>) src(%dma_wait3A_316 : memref<600x128xf32, #tpu.memory_space<vmem_shared>>) dst(%arg12 : memref<128x128xf32, #tpu.memory_space<vmem>>)
      %dma_start3A_317 = arith.constant 0 : i32
      %dma_start3A_318 = tpu.memref_slice %arg7[%add3A_309, %dma_start3A_317] : memref<200x128xi32, #tpu.memory_space<vmem>> -> memref<1x128xi32, #tpu.memory_space<vmem>>
      %dma_start3A_319 = tpu.memref_squeeze %dma_start3A_318 : memref<1x128xi32, #tpu.memory_space<vmem>> -> memref<128xi32, #tpu.memory_space<vmem>>
      %dma_start3A_320 = arith.constant 0 : i32
      %dma_start3A_321 = arith.constant 0 : i32
      %dma_start3A_322 = tpu.memref_slice %arg4[%dma_start3A_320, %dma_start3A_321] : memref<100000x128xf32, #tpu.memory_space<hbm>> -> memref<100000x128xf32, #tpu.memory_space<hbm>>
      tpu.enqueue_indirect_dma source(%dma_start3A_322 : memref<100000x128xf32, #tpu.memory_space<hbm>>) target(%arg12 : memref<128x128xf32, #tpu.memory_space<vmem>>) offsets(%dma_start3A_319 : memref<128xi32, #tpu.memory_space<vmem>>) semaphore(%arg21 : memref<!tpu.dma_semaphore, #tpu.memory_space<semaphore_mem>>) {add = true}
      %dma_wait3A_323 = arith.constant 0 : i32
      %dma_wait3A_324 = arith.constant 0 : i32
      %dma_wait3A_325 = tpu.memref_slice %arg7[%dma_wait3A_323, %dma_wait3A_324] : memref<200x128xi32, #tpu.memory_space<vmem>> -> memref<1x128xi32, #tpu.memory_space<vmem>>
      %dma_wait3A_326 = tpu.memref_squeeze %dma_wait3A_325 : memref<1x128xi32, #tpu.memory_space<vmem>> -> memref<128xi32, #tpu.memory_space<vmem>>
      %dma_wait3A_327 = arith.constant 0 : i32
      %dma_wait3A_328 = arith.constant 0 : i32
      %dma_wait3A_329 = tpu.memref_slice %arg4[%dma_wait3A_327, %dma_wait3A_328] : memref<100000x128xf32, #tpu.memory_space<hbm>> -> memref<100000x128xf32, #tpu.memory_space<hbm>>
      tpu.wait_indirect_dma semaphore(%arg20 : memref<!tpu.dma_semaphore, #tpu.memory_space<semaphore_mem>>) src(%dma_wait3A_329 : memref<100000x128xf32, #tpu.memory_space<hbm>>) dst(%arg11 : memref<128x128xf32, #tpu.memory_space<vmem>>)
      %sub3A_330 = arith.constant 1 : i32
      %sub3A_331 = arith.subi %add3A_309, %sub3A_330 : i32
      %mul3A_332 = arith.constant 128 : i32
      %mul3A_333 = arith.muli %sub3A_331, %mul3A_332 : i32
      %add3A_334 = arith.addi %mul3A_2, %mul3A_333 : i32
      %dma_start3A_335 = arith.constant 0 : i32
      %dma_start3A_336 = tpu.memref_slice %arg6[%add3A_334, %dma_start3A_335] : memref<819200x128xf32, #tpu.memory_space<hbm>> -> memref<128x128xf32, #tpu.memory_space<hbm>>
      %dma_start3A_337 = arith.constant 0 : i32
      %dma_start3A_338 = tpu.memref_slice %arg6[%add3A_334, %dma_start3A_337] : memref<819200x128xf32, #tpu.memory_space<hbm>> -> memref<128x128xf32, #tpu.memory_space<hbm>>
      tpu.enqueue_dma source(%arg11 : memref<128x128xf32, #tpu.memory_space<vmem>>) target(%dma_start3A_338 : memref<128x128xf32, #tpu.memory_space<hbm>>) target_semaphore(%arg24 : memref<!tpu.dma_semaphore, #tpu.memory_space<semaphore_mem>>)
      %dma_wait3A_339 = arith.constant 0 : i32
      %dma_wait3A_340 = tpu.memref_slice %arg6[%mul3A_2, %dma_wait3A_339] : memref<819200x128xf32, #tpu.memory_space<hbm>> -> memref<128x128xf32, #tpu.memory_space<hbm>>
      %dma_wait3A_341 = arith.constant 0 : i32
      %dma_wait3A_342 = tpu.memref_slice %arg6[%mul3A_2, %dma_wait3A_341] : memref<819200x128xf32, #tpu.memory_space<hbm>> -> memref<128x128xf32, #tpu.memory_space<hbm>>
      tpu.wait_dma2 semaphore(%arg22 : memref<!tpu.dma_semaphore, #tpu.memory_space<semaphore_mem>>) src(%arg9 : memref<128x128xf32, #tpu.memory_space<vmem>>) dst(%dma_wait3A_342 : memref<128x128xf32, #tpu.memory_space<hbm>>)
      %add3A_343 = arith.constant 1 : i32
      %add3A_344 = arith.addi %add3A_309, %add3A_343 : i32
      %lt3A_345 = arith.constant 200 : i32
      %lt3A_346 = arith.cmpi slt, %add3A_344, %lt3A_345 : i32
      %convert_element_type3A_347 = arith.extui %lt3A_346 : i1 to i32
      %cond3A_348 = arith.constant 0 : i32
      %cond3A_349 = arith.cmpi ne, %convert_element_type3A_347, %cond3A_348 : i32
      scf.if %cond3A_349 {
        %add3A_350 = arith.constant 1 : i32
        %add3A_351 = arith.addi %add3A_309, %add3A_350 : i32
        %dma_start3A_352 = arith.constant 0 : i32
        %dma_start3A_353 = tpu.memref_slice %arg8[%add3A_351, %dma_start3A_352] : memref<200x128xi32, #tpu.memory_space<vmem>> -> memref<1x128xi32, #tpu.memory_space<vmem>>
        %dma_start3A_354 = tpu.memref_squeeze %dma_start3A_353 : memref<1x128xi32, #tpu.memory_space<vmem>> -> memref<128xi32, #tpu.memory_space<vmem>>
        %dma_start3A_355 = arith.constant 0 : i32
        %dma_start3A_356 = arith.constant 0 : i32
        %dma_start3A_357 = tpu.memref_slice %arg13[%dma_start3A_355, %dma_start3A_356] : memref<600x128xf32, #tpu.memory_space<vmem_shared>> -> memref<600x128xf32, #tpu.memory_space<vmem_shared>>
        tpu.enqueue_indirect_dma source(%dma_start3A_357 : memref<600x128xf32, #tpu.memory_space<vmem_shared>>) target(%arg9 : memref<128x128xf32, #tpu.memory_space<vmem>>) offsets(%dma_start3A_354 : memref<128xi32, #tpu.memory_space<vmem>>) semaphore(%arg14 : memref<!tpu.dma_semaphore, #tpu.memory_space<semaphore_mem>>)
      } else {
      }
    }
    %scan3A_145 = arith.constant 49 : i32
    %dma_wait3A_146 = arith.constant 0 : i32
    %dma_wait3A_147 = arith.constant 0 : i32
    %dma_wait3A_148 = tpu.memref_slice %arg7[%dma_wait3A_146, %dma_wait3A_147] : memref<200x128xi32, #tpu.memory_space<vmem>> -> memref<1x128xi32, #tpu.memory_space<vmem>>
    %dma_wait3A_149 = tpu.memref_squeeze %dma_wait3A_148 : memref<1x128xi32, #tpu.memory_space<vmem>> -> memref<128xi32, #tpu.memory_space<vmem>>
    %dma_wait3A_150 = arith.constant 0 : i32
    %dma_wait3A_151 = arith.constant 0 : i32
    %dma_wait3A_152 = tpu.memref_slice %arg4[%dma_wait3A_150, %dma_wait3A_151] : memref<100000x128xf32, #tpu.memory_space<hbm>> -> memref<100000x128xf32, #tpu.memory_space<hbm>>
    tpu.wait_indirect_dma semaphore(%arg21 : memref<!tpu.dma_semaphore, #tpu.memory_space<semaphore_mem>>) src(%dma_wait3A_152 : memref<100000x128xf32, #tpu.memory_space<hbm>>) dst(%arg12 : memref<128x128xf32, #tpu.memory_space<vmem>>)
    %add3A_153 = arith.constant 25472 : i32
    %add3A_154 = arith.addi %mul3A_2, %add3A_153 : i32
    %dma_start3A_155 = arith.constant 0 : i32
    %dma_start3A_156 = tpu.memref_slice %arg6[%add3A_154, %dma_start3A_155] : memref<819200x128xf32, #tpu.memory_space<hbm>> -> memref<128x128xf32, #tpu.memory_space<hbm>>
    %dma_start3A_157 = arith.constant 0 : i32
    %dma_start3A_158 = tpu.memref_slice %arg6[%add3A_154, %dma_start3A_157] : memref<819200x128xf32, #tpu.memory_space<hbm>> -> memref<128x128xf32, #tpu.memory_space<hbm>>
    tpu.enqueue_dma source(%arg12 : memref<128x128xf32, #tpu.memory_space<vmem>>) target(%dma_start3A_158 : memref<128x128xf32, #tpu.memory_space<hbm>>) target_semaphore(%arg25 : memref<!tpu.dma_semaphore, #tpu.memory_space<semaphore_mem>>)
    %dma_wait3A_159 = arith.constant 0 : i32
    %dma_wait3A_160 = tpu.memref_slice %arg6[%mul3A_2, %dma_wait3A_159] : memref<819200x128xf32, #tpu.memory_space<hbm>> -> memref<128x128xf32, #tpu.memory_space<hbm>>
    %dma_wait3A_161 = arith.constant 0 : i32
    %dma_wait3A_162 = tpu.memref_slice %arg6[%mul3A_2, %dma_wait3A_161] : memref<819200x128xf32, #tpu.memory_space<hbm>> -> memref<128x128xf32, #tpu.memory_space<hbm>>
    tpu.wait_dma2 semaphore(%arg23 : memref<!tpu.dma_semaphore, #tpu.memory_space<semaphore_mem>>) src(%arg10 : memref<128x128xf32, #tpu.memory_space<vmem>>) dst(%dma_wait3A_162 : memref<128x128xf32, #tpu.memory_space<hbm>>)
    %dma_wait3A_163 = arith.constant 0 : i32
    %dma_wait3A_164 = tpu.memref_slice %arg6[%mul3A_2, %dma_wait3A_163] : memref<819200x128xf32, #tpu.memory_space<hbm>> -> memref<128x128xf32, #tpu.memory_space<hbm>>
    %dma_wait3A_165 = arith.constant 0 : i32
    %dma_wait3A_166 = tpu.memref_slice %arg6[%mul3A_2, %dma_wait3A_165] : memref<819200x128xf32, #tpu.memory_space<hbm>> -> memref<128x128xf32, #tpu.memory_space<hbm>>
    tpu.wait_dma2 semaphore(%arg24 : memref<!tpu.dma_semaphore, #tpu.memory_space<semaphore_mem>>) src(%arg11 : memref<128x128xf32, #tpu.memory_space<vmem>>) dst(%dma_wait3A_166 : memref<128x128xf32, #tpu.memory_space<hbm>>)
    %dma_wait3A_167 = arith.constant 0 : i32
    %dma_wait3A_168 = tpu.memref_slice %arg6[%mul3A_2, %dma_wait3A_167] : memref<819200x128xf32, #tpu.memory_space<hbm>> -> memref<128x128xf32, #tpu.memory_space<hbm>>
    %dma_wait3A_169 = arith.constant 0 : i32
    %dma_wait3A_170 = tpu.memref_slice %arg6[%mul3A_2, %dma_wait3A_169] : memref<819200x128xf32, #tpu.memory_space<hbm>> -> memref<128x128xf32, #tpu.memory_space<hbm>>
    tpu.wait_dma2 semaphore(%arg25 : memref<!tpu.dma_semaphore, #tpu.memory_space<semaphore_mem>>) src(%arg12 : memref<128x128xf32, #tpu.memory_space<vmem>>) dst(%dma_wait3A_170 : memref<128x128xf32, #tpu.memory_space<hbm>>)
    return
  }
}

module attributes {stable_mosaic.version = 14 : i64} {
  func.func @_pe_seg_body(%arg0: memref<3x128xf32, #tpu.memory_space<vmem>>, %arg1: memref<600x128xf32, #tpu.memory_space<vmem>>) attributes {dimension_semantics = [], scalar_prefetch = 0 : i64, scratch_operands = 0 : i64, tpu.core_type = #tpu.core_type<tc>} {
    %iota3A = tpu.iota {dimensions = array<i32: 0>} : vector<600x128xi32>
    %iota3A_0 = tpu.iota {dimensions = array<i32: 1>} : vector<600x128xi32>
    %jit3A = arith.constant 3 : i32
    %div3A = vector.broadcast %jit3A : i32 to vector<600x128xi32>
    %div3A_1 = arith.divsi %iota3A, %div3A : vector<600x128xi32>
    %sign3A = arith.constant 0 : i32
    %sign3A_2 = vector.broadcast %sign3A : i32 to vector<600x128xi32>
    %sign3A_3 = arith.cmpi sgt, %iota3A, %sign3A_2 : vector<600x128xi32>
    %sign3A_4 = arith.extui %sign3A_3 : vector<600x128xi1> to vector<600x128xi32>
    %sign3A_5 = arith.constant 0 : i32
    %sign3A_6 = vector.broadcast %sign3A_5 : i32 to vector<600x128xi32>
    %sign3A_7 = arith.cmpi slt, %iota3A, %sign3A_6 : vector<600x128xi32>
    %sign3A_8 = arith.extui %sign3A_7 : vector<600x128xi1> to vector<600x128xi32>
    %sign3A_9 = arith.subi %sign3A_4, %sign3A_8 : vector<600x128xi32>
    %sign3A_10 = arith.constant 0 : i32
    %sign3A_11 = arith.cmpi sgt, %jit3A, %sign3A_10 : i32
    %sign3A_12 = arith.extui %sign3A_11 : i1 to i32
    %sign3A_13 = arith.constant 0 : i32
    %sign3A_14 = arith.cmpi slt, %jit3A, %sign3A_13 : i32
    %sign3A_15 = arith.extui %sign3A_14 : i1 to i32
    %sign3A_16 = arith.subi %sign3A_12, %sign3A_15 : i32
    %ne3A = vector.broadcast %sign3A_16 : i32 to vector<600x128xi32>
    %ne3A_17 = arith.cmpi ne, %sign3A_9, %ne3A : vector<600x128xi32>
    %rem3A = vector.broadcast %jit3A : i32 to vector<600x128xi32>
    %rem3A_18 = arith.remsi %iota3A, %rem3A : vector<600x128xi32>
    %ne3A_19 = arith.constant 0 : i32
    %ne3A_20 = vector.broadcast %ne3A_19 : i32 to vector<600x128xi32>
    %ne3A_21 = arith.cmpi ne, %rem3A_18, %ne3A_20 : vector<600x128xi32>
    %and3A = arith.andi %ne3A_17, %ne3A_21 : vector<600x128xi1>
    %sub3A = arith.constant 1 : i32
    %sub3A_22 = vector.broadcast %sub3A : i32 to vector<600x128xi32>
    %sub3A_23 = arith.subi %div3A_1, %sub3A_22 : vector<600x128xi32>
    %select_n3A = arith.select %and3A, %sub3A_23, %div3A_1 : vector<600x128xi1>, vector<600x128xi32>
    %convert_element_type3A = arith.sitofp %select_n3A : vector<600x128xi32> to vector<600x128xf32>
    %jit3A_24 = arith.constant 3 : i32
    %eq3A = arith.constant 0 : i32
    %eq3A_25 = arith.cmpi eq, %jit3A_24, %eq3A : i32
    %jit3A_26 = arith.constant 1 : i32
    %select_n3A_27 = arith.select %eq3A_25, %jit3A_26, %jit3A_24 : i32
    %rem3A_28 = vector.broadcast %select_n3A_27 : i32 to vector<600x128xi32>
    %rem3A_29 = arith.remsi %iota3A, %rem3A_28 : vector<600x128xi32>
    %ne3A_30 = arith.constant 0 : i32
    %ne3A_31 = vector.broadcast %ne3A_30 : i32 to vector<600x128xi32>
    %ne3A_32 = arith.cmpi ne, %rem3A_29, %ne3A_31 : vector<600x128xi32>
    %lt3A = arith.constant 0 : i32
    %lt3A_33 = vector.broadcast %lt3A : i32 to vector<600x128xi32>
    %lt3A_34 = arith.cmpi slt, %rem3A_29, %lt3A_33 : vector<600x128xi32>
    %lt3A_35 = arith.constant 0 : i32
    %lt3A_36 = arith.cmpi slt, %select_n3A_27, %lt3A_35 : i32
    %ne3A_37 = vector.broadcast %lt3A_36 : i1 to vector<600x128xi1>
    %ne3A_38 = vector.broadcast %ne3A_37 : vector<600x128xi1> to vector<600x128xi1>
    %ne3A_39 = arith.xori %lt3A_34, %ne3A_38 : vector<600x128xi1>
    %and3A_40 = arith.andi %ne3A_39, %ne3A_32 : vector<600x128xi1>
    %add3A = vector.broadcast %select_n3A_27 : i32 to vector<600x128xi32>
    %add3A_41 = arith.addi %rem3A_29, %add3A : vector<600x128xi32>
    %select_n3A_42 = arith.select %and3A_40, %add3A_41, %rem3A_29 : vector<600x128xi1>, vector<600x128xi32>
    %jit3A_43 = arith.constant 2 : i32
    %div3A_44 = vector.broadcast %jit3A_43 : i32 to vector<600x128xi32>
    %div3A_45 = arith.divsi %iota3A_0, %div3A_44 : vector<600x128xi32>
    %sign3A_46 = arith.constant 0 : i32
    %sign3A_47 = vector.broadcast %sign3A_46 : i32 to vector<600x128xi32>
    %sign3A_48 = arith.cmpi sgt, %iota3A_0, %sign3A_47 : vector<600x128xi32>
    %sign3A_49 = arith.extui %sign3A_48 : vector<600x128xi1> to vector<600x128xi32>
    %sign3A_50 = arith.constant 0 : i32
    %sign3A_51 = vector.broadcast %sign3A_50 : i32 to vector<600x128xi32>
    %sign3A_52 = arith.cmpi slt, %iota3A_0, %sign3A_51 : vector<600x128xi32>
    %sign3A_53 = arith.extui %sign3A_52 : vector<600x128xi1> to vector<600x128xi32>
    %sign3A_54 = arith.subi %sign3A_49, %sign3A_53 : vector<600x128xi32>
    %sign3A_55 = arith.constant 0 : i32
    %sign3A_56 = arith.cmpi sgt, %jit3A_43, %sign3A_55 : i32
    %sign3A_57 = arith.extui %sign3A_56 : i1 to i32
    %sign3A_58 = arith.constant 0 : i32
    %sign3A_59 = arith.cmpi slt, %jit3A_43, %sign3A_58 : i32
    %sign3A_60 = arith.extui %sign3A_59 : i1 to i32
    %sign3A_61 = arith.subi %sign3A_57, %sign3A_60 : i32
    %ne3A_62 = vector.broadcast %sign3A_61 : i32 to vector<600x128xi32>
    %ne3A_63 = arith.cmpi ne, %sign3A_54, %ne3A_62 : vector<600x128xi32>
    %rem3A_64 = vector.broadcast %jit3A_43 : i32 to vector<600x128xi32>
    %rem3A_65 = arith.remsi %iota3A_0, %rem3A_64 : vector<600x128xi32>
    %ne3A_66 = arith.constant 0 : i32
    %ne3A_67 = vector.broadcast %ne3A_66 : i32 to vector<600x128xi32>
    %ne3A_68 = arith.cmpi ne, %rem3A_65, %ne3A_67 : vector<600x128xi32>
    %and3A_69 = arith.andi %ne3A_63, %ne3A_68 : vector<600x128xi1>
    %sub3A_70 = arith.constant 1 : i32
    %sub3A_71 = vector.broadcast %sub3A_70 : i32 to vector<600x128xi32>
    %sub3A_72 = arith.subi %div3A_45, %sub3A_71 : vector<600x128xi32>
    %select_n3A_73 = arith.select %and3A_69, %sub3A_72, %div3A_45 : vector<600x128xi1>, vector<600x128xi32>
    %mul3A = arith.constant 2 : i32
    %mul3A_74 = vector.broadcast %mul3A : i32 to vector<600x128xi32>
    %mul3A_75 = arith.muli %select_n3A_73, %mul3A_74 : vector<600x128xi32>
    %convert_element_type3A_76 = arith.sitofp %mul3A_75 : vector<600x128xi32> to vector<600x128xf32>
    %log3A = arith.constant 1.000000e+04 : f32
    %log3A_77 = math.log %log3A : f32
    %neg3A = arith.constant 0.000000e+00 : f32
    %neg3A_78 = arith.subf %neg3A, %log3A_77 : f32
    %mul3A_79 = vector.broadcast %neg3A_78 : f32 to vector<600x128xf32>
    %mul3A_80 = arith.mulf %mul3A_79, %convert_element_type3A_76 : vector<600x128xf32>
    %div3A_81 = arith.constant 1.280000e+02 : f32
    %div3A_82 = vector.broadcast %div3A_81 : f32 to vector<600x128xf32>
    %div3A_83 = arith.divf %mul3A_80, %div3A_82 : vector<600x128xf32>
    %exp3A = math.exp %div3A_83 : vector<600x128xf32>
    %mul3A_84 = arith.mulf %convert_element_type3A, %exp3A : vector<600x128xf32>
    %jit3A_85 = arith.constant 2 : i32
    %eq3A_86 = arith.constant 0 : i32
    %eq3A_87 = arith.cmpi eq, %jit3A_85, %eq3A_86 : i32
    %jit3A_88 = arith.constant 1 : i32
    %select_n3A_89 = arith.select %eq3A_87, %jit3A_88, %jit3A_85 : i32
    %rem3A_90 = vector.broadcast %select_n3A_89 : i32 to vector<600x128xi32>
    %rem3A_91 = arith.remsi %iota3A_0, %rem3A_90 : vector<600x128xi32>
    %ne3A_92 = arith.constant 0 : i32
    %ne3A_93 = vector.broadcast %ne3A_92 : i32 to vector<600x128xi32>
    %ne3A_94 = arith.cmpi ne, %rem3A_91, %ne3A_93 : vector<600x128xi32>
    %lt3A_95 = arith.constant 0 : i32
    %lt3A_96 = vector.broadcast %lt3A_95 : i32 to vector<600x128xi32>
    %lt3A_97 = arith.cmpi slt, %rem3A_91, %lt3A_96 : vector<600x128xi32>
    %lt3A_98 = arith.constant 0 : i32
    %lt3A_99 = arith.cmpi slt, %select_n3A_89, %lt3A_98 : i32
    %ne3A_100 = vector.broadcast %lt3A_99 : i1 to vector<600x128xi1>
    %ne3A_101 = vector.broadcast %ne3A_100 : vector<600x128xi1> to vector<600x128xi1>
    %ne3A_102 = arith.xori %lt3A_97, %ne3A_101 : vector<600x128xi1>
    %and3A_103 = arith.andi %ne3A_102, %ne3A_94 : vector<600x128xi1>
    %add3A_104 = vector.broadcast %select_n3A_89 : i32 to vector<600x128xi32>
    %add3A_105 = arith.addi %rem3A_91, %add3A_104 : vector<600x128xi32>
    %select_n3A_106 = arith.select %and3A_103, %add3A_105, %rem3A_91 : vector<600x128xi1>, vector<600x128xi32>
    %eq3A_107 = arith.constant 0 : i32
    %eq3A_108 = vector.broadcast %eq3A_107 : i32 to vector<600x128xi32>
    %eq3A_109 = arith.cmpi eq, %select_n3A_106, %eq3A_108 : vector<600x128xi32>
    %sin3A = math.sin %mul3A_84 : vector<600x128xf32>
    %cos3A = math.cos %mul3A_84 : vector<600x128xf32>
    %select_n3A_110 = arith.select %eq3A_109, %sin3A, %cos3A : vector<600x128xi1>, vector<600x128xf32>
    %eq3A_111 = arith.constant 0 : i32
    %eq3A_112 = vector.broadcast %eq3A_111 : i32 to vector<600x128xi32>
    %eq3A_113 = arith.cmpi eq, %select_n3A_42, %eq3A_112 : vector<600x128xi32>
    %get3A = arith.constant 0 : index
    %get3A_114 = arith.constant 0 : index
    %get3A_115 = vector.load %arg0[%get3A, %get3A_114] : memref<3x128xf32, #tpu.memory_space<vmem>>, vector<1x128xf32>
    %eq3A_116 = arith.constant 1 : i32
    %eq3A_117 = vector.broadcast %eq3A_116 : i32 to vector<600x128xi32>
    %eq3A_118 = arith.cmpi eq, %select_n3A_42, %eq3A_117 : vector<600x128xi32>
    %get3A_119 = arith.constant 1 : index
    %get3A_120 = arith.constant 0 : index
    %get3A_121 = vector.load %arg0[%get3A_119, %get3A_120] : memref<3x128xf32, #tpu.memory_space<vmem>>, vector<1x128xf32>
    %get3A_122 = arith.constant 2 : index
    %get3A_123 = arith.constant 0 : index
    %get3A_124 = vector.load %arg0[%get3A_122, %get3A_123] : memref<3x128xf32, #tpu.memory_space<vmem>>, vector<1x128xf32>
    %broadcast_in_dim3A = vector.shape_cast %get3A_121 : vector<1x128xf32> to vector<1x128xf32>
    %broadcast_in_dim3A_125 = vector.broadcast %broadcast_in_dim3A : vector<1x128xf32> to vector<600x128xf32>
    %broadcast_in_dim3A_126 = vector.shape_cast %get3A_124 : vector<1x128xf32> to vector<1x128xf32>
    %broadcast_in_dim3A_127 = vector.broadcast %broadcast_in_dim3A_126 : vector<1x128xf32> to vector<600x128xf32>
    %select_n3A_128 = arith.select %eq3A_118, %broadcast_in_dim3A_125, %broadcast_in_dim3A_127 : vector<600x128xi1>, vector<600x128xf32>
    %broadcast_in_dim3A_129 = vector.shape_cast %get3A_115 : vector<1x128xf32> to vector<1x128xf32>
    %broadcast_in_dim3A_130 = vector.broadcast %broadcast_in_dim3A_129 : vector<1x128xf32> to vector<600x128xf32>
    %select_n3A_131 = arith.select %eq3A_113, %broadcast_in_dim3A_130, %select_n3A_128 : vector<600x128xi1>, vector<600x128xf32>
    %add3A_132 = arith.addf %select_n3A_110, %select_n3A_131 : vector<600x128xf32>
    %swap3A = arith.constant 0 : index
    %swap3A_133 = arith.constant 0 : index
    %swap3A_134 = vector.load %arg1[%swap3A, %swap3A_133] : memref<600x128xf32, #tpu.memory_space<vmem>>, vector<600x128xf32>
    tpu.vector_store %arg1[%swap3A, %swap3A_133], %add3A_132 {strides = array<i32>} : memref<600x128xf32, #tpu.memory_space<vmem>>, vector<600x128xf32>,
    return
  }
}

</mosaic_0001>

<sc_bundles>
// kernel: kernel.4.cloned.1.call-start
scs
__scs_entry_jumppad:
0x0: {  	(pc) =	sbr.rel $0x88, $3  }
0x1: {  	(tag) =	ssettag $0x0;
	lr =	simm.s32 $0x1  }
0x2: {  	[smem:$0x3F9D] =	sst lr;
	_ =	strace $0xD0000000  }
0x3: {  	_ = 	snop  }
0x4: {  	_ = 	snop  }
0x5: {  	_ = 	snop  }
0x6: {  	_ = 	snop  }
0x7: {  	_ = 	snop  }
__scs_overlays_trampoline_lowered:
0x8: {  	[smem:$0x3FAC] =	sst s0  }
0x9: {  	[smem:$0x3FAD] =	sst s1  }
0xa: {  	[smem:$0x3FAE] =	sst s2  }
0xb: {  	[smem:$0x3FAF] =	sst s3  }
0xc: {  	[smem:$0x3FB0] =	sst s4  }
0xd: {  	[smem:$0x3FB1] =	sst s5  }
0xe: {  	[smem:$0x3FB2] =	sst s6  }
0xf: {  	[smem:$0x3FB3] =	sst s7  }
0x10: {  	[smem:$0x3FB4] =	sst s8  }
0x11: {  	[smem:$0x3FB5] =	sst s9;
	s0 =	simm.s32 @!p0 $0x0  }
0x12: {  	s1 =	sld [smem:$0x3F9B];
	s0 =	simm.s32 @p0 $0x1  }
0x13: {  	[smem:$0x3FB6] =	sst s0;
	s0 =	simm.s32 @!p1 $0x0  }
0x14: {  	s2 =	sld [smem:$0x3F9A];
	s0 =	simm.s32 @p1 $0x1  }
0x15: {  	[smem:$0x3FB7] =	sst s0;
	s0 =	simm.s32 @!p2 $0x0  }
0x16: {  	s3 =	sld [smem:$0x3FDB];
	s0 =	simm.s32 @p2 $0x1  }
0x17: {  	s4 =	simm.s32 $0x1BF5;
	[smem:$0x3FB9] =	sst s0  }
0x18: {  	s0 =	sld [smem:$0x3F9C];
	_ =	swait.ge [sflag:s4], $0x0  }
0x19: {  	s7 =	sld [smem:$0x3F9D]  }
0x1a: {  	s8 =	sadd.s32 $0xFFFFE003, lr  }
0x1b: {  	s9 =	sadd.s32 $0xFFFFFEF7, lr;
	s5 =	simm.s32 $0xFFFFFFFF;
	p2 =	slt.u32 s8, $0xFFFFF086  }
0x1c: {  	p1 =	slt.u32 s9, $0xF7A;
	s5 =	simm.s32 @!p2 $0x0  }
0x1d: {  	s5 =	simm.s32 @p1 $0x1;
	p0 =	seq.s32 s7, s2  }
0x1e: {  	s7 =	smul.u32 @!p0 $0xF7A, s2;
	p2 =	seq.s32 @!p0 s5, $0x0  }
0x1f: {  	s9 =	smul.u32 $0xF7A, s1;
	s8 =	simm.s32 @!p0 $0x1BF5;
	p2 =	por !p2, p0  }
0x20: {  	[sflag:s8] =	ssyncset.s32 @!p0 $0xFFFFF086;
	s6 =	sadd.s32 @!p0 s3, s7;
	s7 =	simm.s32 @!p0 $0x108  }
0x21: {  	s3 =	sadd.s32 s3, s9;
	s6 =	sadd.s32 @!p0 $0x88, s6;
	s7 =	simm.s32 @p2 $0x1082  }
0x22: {  	[simem:s7], [sflag:s8] =	dma.local @!p0 [hbm:s6], $0xF7A  }
0x23: {  	s9 =	sor.u32 $0xD0000000, s2;
	s6 =	simm.s32 $0x108;
	_ =	swait.ge @!p0 [sflag:s8], $0x0  }
0x24: {  	s3 =	sadd.s32 $0x88, s3;
	s6 =	simm.s32 @!p1 $0x1082;
	[sflag:s4] =	ssyncset.s32 $0xFFFFF086  }
0x25: {  	[simem:s6], [sflag:s4] =	dma.local [hbm:s3], $0xF7A  }
0x26: {  	[smem:$0x3F9D] =	sst s1;
	(tag) =	ssettag s2;
	_ =	strace s9  }
0x27: {  	s1 =	sld [smem:$0x3FAD]  }
0x28: {  	s2 =	sld [smem:$0x3FAE]  }
0x29: {  	s4 =	sld [smem:$0x3FB0]  }
0x2a: {  	p0 =	seq.s32 s5, $0x0;
	s5 =	sld [smem:$0x3FB1]  }
0x2b: {  	s6 =	sld [smem:$0x3FB2]  }
0x2c: {  	s7 =	sld [smem:$0x3FB3]  }
0x2d: {  	s3 =	simm.s32 $0x108;
	s8 =	sld [smem:$0x3FB4]  }
0x2e: {  	s3 =	simm.s32 @!p0 $0x1082;
	s9 =	sld [smem:$0x3FB5]  }
0x2f: {  	lr =	sadd.s32 s0, s3;
	s0 =	sld [smem:$0x3FAC]  }
0x30: {  	s3 =	sld [smem:$0x3FAF]  }
0x31: {  	[smem:$0x3FB8] =	sst s10  }
0x32: {  	s10 =	sld [smem:$0x3FB6];
	_ =	sdelay $0x3  }
0x33: {  	p0 =	seq.s32 s10, $0x1;
	s10 =	sld [smem:$0x3FB8];
	_ =	sdelay $0x3  }
0x34: {  	[smem:$0x3FB8] =	sst s10  }
0x35: {  	s10 =	sld [smem:$0x3FB7];
	_ =	sdelay $0x3  }
0x36: {  	p1 =	seq.s32 s10, $0x1;
	s10 =	sld [smem:$0x3FB8];
	_ =	sdelay $0x3  }
0x37: {  	[smem:$0x3FB8] =	sst s10  }
0x38: {  	s10 =	sld [smem:$0x3FB9]  }
0x39: {  	_ = 	snop;
	(pc) =	sbr.ind lr, $3  }
0x3a: {  	_ = 	snop  }
0x3b: {  	_ = 	snop  }
0x3c: {  	p2 =	seq.s32 s10, $0x1;
	s10 =	sld [smem:$0x3FB8]  }
0x3d: {  	_ =	shalt  }
0x3e: {  	_ =	shalt  }
0x3f: {  	_ =	shalt  }
0x40: {  	_ =	shalt  }
0x41: {  	_ =	shalt  }
0x42: {  	_ =	shalt  }
0x43: {  	_ =	shalt  }
0x44: {  	_ =	shalt  }
0x45: {  	_ =	shalt  }
0x46: {  	_ =	shalt  }
0x47: {  	_ =	shalt  }
0x48: {  	_ =	shalt  }
0x49: {  	_ =	shalt  }
0x4a: {  	_ =	shalt  }
0x4b: {  	_ =	shalt  }
0x4c: {  	_ =	shalt  }
0x4d: {  	_ =	shalt  }
0x4e: {  	_ =	shalt  }
0x4f: {  	_ =	shalt  }
0x50: {  	_ =	shalt  }
0x51: {  	_ =	shalt  }
0x52: {  	_ =	shalt  }
0x53: {  	_ =	shalt  }
0x54: {  	_ =	shalt  }
0x55: {  	_ =	shalt  }
0x56: {  	_ =	shalt  }
0x57: {  	_ =	shalt  }
0x58: {  	_ =	shalt  }
0x59: {  	_ =	shalt  }
0x5a: {  	_ =	shalt  }
0x5b: {  	_ =	shalt  }
0x5c: {  	_ =	shalt  }
0x5d: {  	_ =	shalt  }
0x5e: {  	_ =	shalt  }
0x5f: {  	_ =	shalt  }
0x60: {  	_ =	shalt  }
0x61: {  	_ =	shalt  }
0x62: {  	_ =	shalt  }
0x63: {  	_ =	shalt  }
0x64: {  	_ =	shalt  }
0x65: {  	_ =	shalt  }
0x66: {  	_ =	shalt  }
0x67: {  	_ =	shalt  }
0x68: {  	_ =	shalt  }
0x69: {  	_ =	shalt  }
0x6a: {  	_ =	shalt  }
0x6b: {  	_ =	shalt  }
0x6c: {  	_ =	shalt  }
0x6d: {  	_ =	shalt  }
0x6e: {  	_ =	shalt  }
0x6f: {  	_ =	shalt  }
0x70: {  	_ =	shalt  }
0x71: {  	_ =	shalt  }
0x72: {  	_ =	shalt  }
0x73: {  	_ =	shalt  }
0x74: {  	_ =	shalt  }
0x75: {  	_ =	shalt  }
0x76: {  	_ =	shalt  }
0x77: {  	_ =	shalt  }
0x78: {  	_ =	shalt  }
0x79: {  	_ =	shalt  }
0x7a: {  	_ =	shalt  }
0x7b: {  	_ =	shalt  }
0x7c: {  	_ =	shalt  }
0x7d: {  	_ =	shalt  }
0x7e: {  	_ =	shalt  }
0x7f: {  	_ =	shalt  }
0x80: {  	_ =	shalt  }
0x81: {  	_ =	shalt  }
0x82: {  	_ =	shalt  }
0x83: {  	_ =	shalt  }
0x84: {  	_ =	shalt  }
0x85: {  	_ =	shalt  }
0x86: {  	_ =	shalt  }
0x87: {  	_ =	shalt  }
.Lfunc_end0:
.L_simem_size_0:
called_computation_lowered:
.L_overlay_start_0:
0x88: {  	s2 =	sld [smem:$0x3FD9]  }
0x89: {  	s3 =	sld [smem:$0x3FFE];
	_ =	sdelay $0x1  }
0x8a: {  	s1 =	srdreg.scid  }
0x8b: {  	s0 =	sand.u32 $0x1, s1  }
0x8c: {  	s17 =	sshll.u32 s0, $0xA;
	s2 =	sadd.s32 s3, s2  }
0x8d: {  	s2 =	sadd.s32 s2, s17  }
0x8e: {  	[smem:$0x3FC4] =	sst s2  }
0x8f: {  	_ = 	snop  }
0x90: {  	s2 =	sld [smem:$0x3FC7]  }
0x91: {  	s18 =	sld [smem:$0x3FD0];
	(tm) =	ssettm $0x1  }
0x92: {  	s4 =	sld [smem:$0x3FFB];
	_ =	sdelay $0x3  }
0x93: {  	_ =	strace s4  }
0x94: {  	s4 =	sld [smem:$0x3FFC];
	_ =	sdelay $0x3  }
0x95: {  	_ =	strace s4  }
0x96: {  	s4 =	sld [smem:$0x3FFD];
	_ =	sdelay $0x3  }
0x97: {  	_ =	strace s4  }
0x98: {  	_ =	strace $0x8FFFFFFF  }
0x99: {  	s19 =	sld [smem:$0x3FDB];
	_ =	sdelay $0x1  }
0x9a: {  	s5 =	simm.s32 $_scs_section_size  }
0x9b: {  	s6 =	simm.s32 $_size__tile_overlayer_lowered;
	s7 =	simm.s32 $_tile_overlayer_lowered  }
0x9c: {  	s22 =	simm.s32 $0x1BFF;
	s21 =	sshll.u32 s7, $0x1;
	s4 =	sadd.s32 s5, s19  }
0x9d: {  	s8 =	simm.s32 $0x0;
	s20 =	sshll.u32 s6, $0x1;
	s6 =	sadd.s32 s21, s4  }
0x9e: {  	[timem:s8], [sflag:s22] =	dma.local [hbm:s6], s20  }
0x9f: {  	_ =	swait.ge [sflag:s22], s20  }
0xa0: {  	s5 =	ssub.s32 $0x0, s20;
	[sflag:s22] =	ssyncset.done $0x0  }
0xa1: {  	[sflag:s22] =	ssyncadd.s32 s5;
	_ =	sdelay $0x1  }
0xa2: {  	s23 =	simm.s32 $0x1B8B  }
0xa3: {  	_ =	swait.ge [sflag:s23], $0x1  }
0xa4: {  	[sflag:s23] =	ssyncset.done $0x0  }
0xa5: {  	s25 =	simm.s32 $0x1B8E;
	s24 =	sld [smem:$0x3FFE];
	[sflag:s23] =	ssyncadd.s32 $0xFFFFFFFF  }
0xa6: {  	s26 =	simm.s32 $execute0_lowered;
	[smem:$0x3FD2] =	sst s25  }
0xa7: {  	s6 =	sshll.u32 s26, $0x1;
	_ =	strace $0x80000046;
	[dreg:$0x1] =	wrdreg $0xFFFFFFFF  }
0xa8: {  	s28 =	simm.s32 $_size_execute0_lowered;
	s4 =	sadd.s32 s4, s6;
	[dreg:$0x0] =	wrdreg $0x0  }
0xa9: {  	s6 =	sshll.u32 s28, $0x1;
	[dreg:$0x2] =	wrdreg s4  }
0xaa: {  	[dreg:$0x3] =	wrdreg s6  }
0xab: {  	[dreg:$0x4] =	wrdreg $0xC0  }
0xac: {  	_ =	task [dreg:s8], $0x5FFFF  }
0xad: {  	[dreg:$0x1] =	wrdreg $0xFFFFFFFF  }
0xae: {  	[dreg:$0x0] =	wrdreg $0x60  }
0xaf: {  	[dreg:$0x2] =	wrdreg s24  }
0xb0: {  	[dreg:$0x3] =	wrdreg s2  }
0xb1: {  	[dreg:$0x4] =	wrdreg s18  }
0xb2: {  	[dreg:$0x5] =	wrdreg $0x1C8000  }
0xb3: {  	[dreg:$0x6] =	wrdreg $0x9  }
0xb4: {  	_ =	task.clear_ibuf [dreg:s8], $0x7FFFF;
	_ =	strace $0x90000046  }
0xb5: {  	s29 =	simm.s32 $0x9;
	_ =	strace $0x80000048  }
0xb6: {  	_ =	swait.ge [sflag:s29], $0x1  }
0xb7: {  	[sflag:s29] =	ssyncadd.s32 $0xFFFFFFFF  }
0xb8: {  	_ =	strace $0x90000048  }
0xb9: {  	_ =	sfence  }
0xba: {  	s30 =	sld [smem:$0x0];
	_ =	sdelay $0x2  }
0xbb: {  	s31 =	sshll.u32 s1, $0xD;
	s1 =	sshrl.u32 s1, $0x2  }
0xbc: {  	s3 =	sand.u32 $0x4000, s31;
	s1 =	sadd.s32 s1, s30  }
0xbd: {  	s0 =	sor.u32 s3, s0;
	s1 =	sshll.u32 s1, $0x11  }
0xbe: {  	s0 =	sor.u32 s1, s0  }
0xbf: {  	s0 =	sadd.s32 $0x8F2B, s0  }
0xc0: {  	[sflag:s0] =	ssyncadd.remote.s32 $0x1  }
0xc1: {  	_ =	sfence.sel $0xFFFF  }
0xc2: {  	[dreg:$0x0] =	wrdreg $0xFFFFFFFF;
	(pc) =	sbr.abs _section_cstart, $3  }
0xc3: {  	[dreg:$0x1] =	wrdreg $0xFFFFFFFF  }
0xc4: {  	_ =	task.clear_ibuf [dreg:s8], $0x2FFFF;
	_ =	strace $0x9FFFFFFF  }
0xc5: {  	(tm) =	ssettm $0x7FFFFFFF  }
tec
execute0_lowered:
.L_overlay_start_1:
0x0: {  	(tag) =	ssettag $0x1  }
0x1: {  	s1 =	rddreg [dreg:$0x0]  }
0x2: {  	s0 =	rddreg [dreg:$0x1]  }
0x3: {  	s2 =	srdreg.scid;
	s4 =	stileid.u32  }
0x4: {  	s5 =	rddreg [dreg:$0x2];
	s16 =	simm.s32 $0xD;
	s11 =	smul.u32 $0xC800, s4  }
0x5: {  	s28 =	simm.s32 $0x3;
	s30 =	simm.s32 $0x6;
	s20 =	smul.u32 $0x640000, s4  }
0x6: {  	s29 =	simm.s32 $0x7;
	s6 =	sand.u32 $0x1, s2;
	s22 =	smul.u32 $0xC8000, s4  }
0x7: {  	s31 =	simm.s32 $0x9;
	s3 =	sshll.u32 s4, $0x1;
	s19 =	smul.u32 $0x6400, s6  }
0x8: {  	s2 =	rddreg [dreg:$0x3];
	p0 =	sne.s32 s4, $0x0;
	s21 =	smul.u32 $0x320000, s6  }
0x9: {  	s7 =	sor.u32 s6, s3;
	s10 =	ssub.s32 $0x2, s6;
	s6 =	smul.u32 $0x64000, s6  }
0xa: {  	s4 =	simm.s32 $0xA;
	s3 =	simm.s32 $0x0;
	s8 =	smul.u32 $0x6400, s7  }
0xb: {  	s15 =	sshrl.u32 @!p0 s2, $0x3;
	[smem:$0x7FF] =	sst s3;
	s9 =	smul.u32 $0x64000, s7  }
0xc: {  	s7 =	smul.u32 $0x320000, s7;
	s17 =	sshrl.u32 s10, $0x1;
	s25 =	sadd.s32 s22, s5  }
0xd: {  	s22 =	simm.s32 $0x10800;
	_ =	strace $0x80000047;
	s23 =	sadd.s32 s21, s20  }
0xe: {  	s26 =	sadd.s32 s19, s11;
	s6 =	sadd.s32 s6, s25;
	s19 =	simm.s32 $0xC800  }
0xf: {  	s20 =	simm.s32 $0x1;
	s21 =	simm.s32 $0x4;
	s25 =	simm.s32 $0x8  }
0x10: {  	s8 =	sshrl.u32 s8, $0x3;
	s12 =	sadd.s32 s5, s9;
	s7 =	sshrl.u32 s7, $0x3  }
0x11: {  	s24 =	sor.u32 $0x10000, s23;
	[dreg:$0xd] =	wrdreg s26;
	s23 =	simm.s32 $0x2  }
0x12: {  	s8 =	sadd.s32 s8, s1;
	s1 =	sadd.s32 $0xA00, s1;
	[dreg:$0x8] =	wrdreg s12  }
0x13: {  	s26 =	simm.s32 $0x14800;
	s9 =	sadd.s32 $0x800, s12;
	[dreg:$0x5] =	wrdreg s1  }
0x14: {  	s12 =	sadd.s32 $0x1000, s12;
	s7 =	sadd.s32 s5, s7;
	[dreg:$0x9] =	wrdreg s9  }
0x15: {  	s1 =	ssub.s32 s10, s17;
	s18 =	sadd.s32 $0x3000, s8;
	[dreg:$0xa] =	wrdreg s12  }
0x16: {  	s8 =	sadd.s32 $0x1C000, s8;
	s7 =	sadd.s32 $0x63800, s7;
	[dreg:$0x6] =	wrdreg s18  }
0x17: {  	s10 =	sadd.s32 $0x1800, s6;
	s17 =	simm.s32 $0x80;
	[dreg:$0x7] =	wrdreg s8  }
0x18: {  	s6 =	simm.s32 $0xC;
	[dreg:$0xb] =	wrdreg s7;
	s1 =	smax.u32 s1, $0x1  }
0x19: {  	s18 =	simm.s32 $0x6400;
	[dreg:$0xc] =	wrdreg s1;
	s1 =	sshrl.u32 s24, $0x3  }
0x1a: {  	s8 =	simm.s32 $0x0;
	s24 =	simm.s32 $0x5;
	s1 =	sadd.s32 s1, s5  }
0x1b: {  	v0 =	vlaneseq.u32;
	s5 =	simm.s32 $0xB;
	[dreg:$0xe] =	wrdreg s1;
	s1 =	simm.s32 $0x18800  }
.LBB2_1:
0x1c: {  	s7 =	simm.s32 @!p0 $0x1C0D;
	s9 =	rddreg [dreg:$0x5]  }
0x1d: {  	[spmem:s15], [sflag:s7] =	dma.local @!p0 [hbm:s9], $0x2580  }
0x1e: {  	s7 =	simm.s32 @!p0 $0xD  }
0x1f: {  	_ =	swait.ge @!p0 [sflag:s7], $0x2580  }
0x20: {  	[sflag:s7] =	ssyncset.done @!p0 $0x0  }
0x21: {  	s13 =	rddreg [dreg:$0x6];
	[sflag:s7] =	ssyncadd.s32 @!p0 $0xFFFFDA80  }
0x22: {  	[tilespmem:s3], [sflag:$0xD] =	stream.linear.gather [hbm4b:s13+s3], $0x6400, $0x38;
	[tilespmem:$0x1DAC0] =	vst v63  }
0x23: {  	_ =	swait.ge [sflag:s16], $0x6400  }
0x24: {  	[sflag:s16] =	ssyncset.done $0x0  }
0x25: {  	s14 =	rddreg [dreg:$0x7];
	[sflag:s16] =	ssyncadd.s32 $0xFFFF9C00  }
0x26: {  	[tilespmem:s18], [sflag:$0xD] =	stream.linear.gather [hbm4b:s14+s3], $0x6400, $0x38;
	[tilespmem:$0x1DAC0] =	vst v63  }
0x27: {  	_ =	swait.ge [sflag:s16], $0x6400  }
0x28: {  	s9 =	simm.s32 $0x6400;
	[sflag:s16] =	ssyncset.done $0x0  }
0x29: {  	s14 =	simm.s32 $0x0;
	s13 =	rddreg [dreg:$0xd];
	[sflag:s16] =	ssyncadd.s32 $0xFFFF9C00  }
.LBB2_2:
0x2a: {  	v2 =	vor.u32 s13, v0  }
0x2b: {  	v1 =	vmov s9;
	v3 =	vmulhi.u32 $0x51EB851F, v2;
	_ =	sdelay $0x1  }
0x2c: {  	v3 =	vshrl.u32 v3, $0x6  }
0x2d: {  	v3 =	vmul.u32 $0xC8, v3  }
0x2e: {  	s7 =	simm.s32 $0x0  }
0x2f: {  	v2 =	vsub.s32 v2, v3;
	v3 =	vld.idx.msk [tilespmem:v1+s7+$0x0 ss:$0x1], $0xffff;
	_ =	sdelay $0x2  }
0x30: {  	s18 =	sadd.s32 $0x10, s13;
	v4 =	vmul.u32 $0x3, v2  }
0x31: {  	s12 =	simm.s32 $0x40;
	s11 =	simm.s32 $0x80;
	v2 =	vor.u32 s18, v0  }
.LBB2_3:
0x32: {  	p1 =	sne.s32 s11, $0x1C0;
	v5 =	vmulhi.u32 $0x51EB851F, v2;
	v3 =	vadd.s32 v4, v3  }
0x33: {  	[tilespmem:v1+s7+$0x0 ss:$0x1] =	vst.idx.msk $0xffff, v3;
	s7 =	sshra.s32 s12, $0x2;
	s12 =	smov.u32 s11  }
0x34: {  	v4 =	vshrl.u32 v5, $0x6;
	v3 =	vld.idx.msk [tilespmem:v1+s7+$0x0 ss:$0x1], $0xffff  }
.Ltmp0:
0x35: {  	v4 =	vmul.u32 $0xC8, v4;
	(pc) =	sbr.rel @p1 .LBB2_3-.Ltmp0, $4  }
0x36: {  	_ = 	snop  }
0x37: {  	v2 =	vsub.s32 v2, v4  }
0x38: {  	s18 =	sadd.s32 $0x10, s18;
	v4 =	vmul.u32 $0x3, v2  }
0x39: {  	s11 =	sadd.s32 $0x40, s11;
	v2 =	vor.u32 s18, v0  }
0x3a: {  	_ =	sdelay $0x1  }
0x3b: {  	v5 =	vmulhi.u32 $0x51EB851F, v2  }
0x3c: {  	v3 =	vadd.s32 v4, v3  }
0x3d: {  	s11 =	sshra.s32 s12, $0x2;
	[tilespmem:v1+s7+$0x0 ss:$0x1] =	vst.idx.msk $0xffff, v3;
	v3 =	vshrl.u32 v5, $0x6  }
0x3e: {  	s14 =	sadd.s32 $0x1, s14;
	v63 =	vld.idx.msk [tilespmem:v1+s11+$0x0 ss:$0x1], $0xffff;
	v3 =	vmul.u32 $0xC8, v3  }
0x3f: {  	p1 =	sne.s32 s14, $0xC8  }
.Ltmp1:
0x40: {  	v2 =	vsub.s32 v2, v3;
	(pc) =	sbr.rel @p1 .LBB2_2-.Ltmp1, $3  }
0x41: {  	v2 =	vmul.u32 $0x3, v2;
	_ =	sdelay $0x1  }
0x42: {  	v2 =	vadd.s32 v2, v63  }
0x43: {  	s13 =	sadd.s32 $0x80, s13;
	s9 =	sadd.s32 $0x80, s9;
	[tilespmem:v1+s11+$0x0 ss:$0x1] =	vst.idx.msk $0xffff, v2  }
0x44: {  	[bflag:$0x0] =	sbarrier.arrive $0xFFFF;
	s18 =	simm.s32 $0x6400  }
0x45: {  	[tilespmem:s19], [sflag:$0x1] =	stream.indirect.gather [spmem:s2], $0x80, s18, s17, $0xb8;
	[tilespmem:$0x1DAC0] =	vst v63  }
0x46: {  	_ =	swait.ge [sflag:s20], $0x4000  }
0x47: {  	[sflag:s20] =	ssyncset.done $0x0  }
0x48: {  	s9 =	simm.s32 $0x0;
	[sflag:s20] =	ssyncadd.s32 $0xFFFFC000  }
0x49: {  	[tilespmem:s19], [sflag:$0x5] =	stream.indirect.gather.add.f32 [hbm:s0], $0x80, s9, s17, $0xb8;
	[tilespmem:$0x1DAC0] =	vst v63  }
0x4a: {  	s7 =	simm.s32 $0x6480  }
0x4b: {  	[tilespmem:s22], [sflag:$0x2] =	stream.indirect.gather [spmem:s2], $0x80, s7, s17, $0xb8;
	[tilespmem:$0x1DAC0] =	vst v63  }
0x4c: {  	_ =	swait.ge [sflag:s23], $0x4000  }
0x4d: {  	[sflag:s23] =	ssyncset.done $0x0  }
0x4e: {  	[sflag:s23] =	ssyncadd.s32 $0xFFFFC000  }
0x4f: {  	[tilespmem:s22], [sflag:$0x6] =	stream.indirect.gather.add.f32 [hbm:s0], $0x80, s17, s17, $0xb8;
	[tilespmem:$0x1DAC0] =	vst v63  }
0x50: {  	_ =	swait.ge [sflag:s24], $0x4000  }
0x51: {  	[sflag:s24] =	ssyncset.done $0x0  }
0x52: {  	s11 =	rddreg [dreg:$0x8];
	[sflag:s24] =	ssyncadd.s32 $0xFFFFC000  }
0x53: {  	[hbm4b:s11+s9] =	stream.linear.scatter [tilespmem:s19], [sflag:$0x9], $0x4000, $0x38;
	[tilespmem:$0x1DAC0] =	vst v63  }
0x54: {  	s12 =	simm.s32 $0x6500  }
0x55: {  	[tilespmem:s26], [sflag:$0x3] =	stream.indirect.gather [spmem:s2], $0x80, s12, s17, $0xb8;
	[tilespmem:$0x1DAC0] =	vst v63  }
0x56: {  	_ =	swait.ge [sflag:s28], $0x4000  }
0x57: {  	[sflag:s28] =	ssyncset.done $0x0  }
0x58: {  	s13 =	simm.s32 $0x100;
	[sflag:s28] =	ssyncadd.s32 $0xFFFFC000  }
0x59: {  	[tilespmem:s26], [sflag:$0x7] =	stream.indirect.gather.add.f32 [hbm:s0], $0x80, s13, s17, $0xb8;
	[tilespmem:$0x1DAC0] =	vst v63  }
0x5a: {  	_ =	swait.ge [sflag:s30], $0x4000  }
0x5b: {  	[sflag:s30] =	ssyncset.done $0x0  }
0x5c: {  	s14 =	rddreg [dreg:$0x9];
	[sflag:s30] =	ssyncadd.s32 $0xFFFFC000  }
0x5d: {  	[hbm4b:s14+s9] =	stream.linear.scatter [tilespmem:s22], [sflag:$0xA], $0x4000, $0x38;
	[tilespmem:$0x1DAC0] =	vst v63  }
0x5e: {  	s11 =	simm.s32 $0x6580  }
0x5f: {  	[tilespmem:s1], [sflag:$0x4] =	stream.indirect.gather [spmem:s2], $0x80, s11, s17, $0xb8;
	[tilespmem:$0x1DAC0] =	vst v63  }
0x60: {  	_ =	swait.ge [sflag:s21], $0x4000  }
0x61: {  	[sflag:s21] =	ssyncset.done $0x0  }
0x62: {  	s12 =	simm.s32 $0x180;
	[sflag:s21] =	ssyncadd.s32 $0xFFFFC000  }
0x63: {  	[tilespmem:s1], [sflag:$0x8] =	stream.indirect.gather.add.f32 [hbm:s0], $0x80, s12, s17, $0xb8;
	[tilespmem:$0x1DAC0] =	vst v63  }
0x64: {  	_ =	swait.ge [sflag:s29], $0x4000  }
0x65: {  	[sflag:s29] =	ssyncset.done $0x0  }
0x66: {  	s13 =	rddreg [dreg:$0xa];
	[sflag:s29] =	ssyncadd.s32 $0xFFFFC000  }
0x67: {  	[hbm4b:s13+s9] =	stream.linear.scatter [tilespmem:s26], [sflag:$0xB], $0x4000, $0x38;
	[tilespmem:$0x1DAC0] =	vst v63  }
0x68: {  	_ =	swait.ge [sflag:s31], $0x4000  }
0x69: {  	[sflag:s31] =	ssyncset.done $0x0  }
0x6a: {  	s14 =	simm.s32 $0x6600;
	[sflag:s31] =	ssyncadd.s32 $0xFFFFC000  }
0x6b: {  	[tilespmem:s19], [sflag:$0x1] =	stream.indirect.gather [spmem:s2], $0x80, s14, s17, $0xb8;
	[tilespmem:$0x1DAC0] =	vst v63  }
0x6c: {  	s13 =	rddreg [dreg:$0xe];
	s14 =	smov.u32 s10  }
.LBB2_6:
0x6d: {  	_ =	swait.ge [sflag:s20], $0x4000  }
0x6e: {  	s7 =	sshra.s32 s9, $0x2;
	[sflag:s20] =	ssyncset.done $0x0  }
0x6f: {  	s11 =	sadd.s32 $0x200, s7;
	[sflag:s20] =	ssyncadd.s32 $0xFFFFC000  }
0x70: {  	[tilespmem:s19], [sflag:$0x5] =	stream.indirect.gather.add.f32 [hbm:s0], $0x80, s11, s17, $0xb8;
	[tilespmem:$0x1DAC0] =	vst v63  }
0x71: {  	_ =	swait.ge [sflag:s25], $0x4000  }
0x72: {  	[sflag:s25] =	ssyncset.done $0x0  }
0x73: {  	[sflag:s25] =	ssyncadd.s32 $0xFFFFC000  }
0x74: {  	[hbm4b:s14+s3] =	stream.linear.scatter [tilespmem:s1], [sflag:$0xC], $0x4000, $0x38;
	[tilespmem:$0x1DAC0] =	vst v63  }
0x75: {  	_ =	swait.ge [sflag:s4], $0x4000  }
0x76: {  	[sflag:s4] =	ssyncset.done $0x0  }
0x77: {  	s12 =	sadd.s32 $0x6680, s7;
	[sflag:s4] =	ssyncadd.s32 $0xFFFFC000  }
0x78: {  	[tilespmem:s22], [sflag:$0x2] =	stream.indirect.gather [spmem:s2], $0x80, s12, s17, $0xb8;
	[tilespmem:$0x1DAC0] =	vst v63  }
0x79: {  	_ =	swait.ge [sflag:s23], $0x4000  }
0x7a: {  	[sflag:s23] =	ssyncset.done $0x0  }
0x7b: {  	s12 =	sadd.s32 $0x280, s7;
	[sflag:s23] =	ssyncadd.s32 $0xFFFFC000  }
0x7c: {  	[tilespmem:s22], [sflag:$0x6] =	stream.indirect.gather.add.f32 [hbm:s0], $0x80, s12, s17, $0xb8;
	[tilespmem:$0x1DAC0] =	vst v63  }
0x7d: {  	_ =	swait.ge [sflag:s24], $0x4000  }
0x7e: {  	[sflag:s24] =	ssyncset.done $0x0  }
0x7f: {  	[sflag:s24] =	ssyncadd.s32 $0xFFFFC000  }
0x80: {  	[hbm4b:s13+s3] =	stream.linear.scatter [tilespmem:s19], [sflag:$0x9], $0x4000, $0x38;
	[tilespmem:$0x1DAC0] =	vst v63  }
0x81: {  	_ =	swait.ge [sflag:s5], $0x4000  }
0x82: {  	[sflag:s5] =	ssyncset.done $0x0  }
0x83: {  	s12 =	sadd.s32 $0x6700, s7;
	[sflag:s5] =	ssyncadd.s32 $0xFFFFC000  }
0x84: {  	[tilespmem:s26], [sflag:$0x3] =	stream.indirect.gather [spmem:s2], $0x80, s12, s17, $0xb8;
	[tilespmem:$0x1DAC0] =	vst v63  }
0x85: {  	_ =	swait.ge [sflag:s28], $0x4000  }
0x86: {  	[sflag:s28] =	ssyncset.done $0x0  }
0x87: {  	s12 =	sadd.s32 $0x300, s7;
	[sflag:s28] =	ssyncadd.s32 $0xFFFFC000  }
0x88: {  	[tilespmem:s26], [sflag:$0x7] =	stream.indirect.gather.add.f32 [hbm:s0], $0x80, s12, s17, $0xb8;
	[tilespmem:$0x1DAC0] =	vst v63  }
0x89: {  	_ =	swait.ge [sflag:s30], $0x4000  }
0x8a: {  	[sflag:s30] =	ssyncset.done $0x0  }
0x8b: {  	s12 =	sadd.s32 $0x1000, s14;
	[sflag:s30] =	ssyncadd.s32 $0xFFFFC000  }
0x8c: {  	[hbm4b:s12+s3] =	stream.linear.scatter [tilespmem:s22], [sflag:$0xA], $0x4000, $0x38;
	[tilespmem:$0x1DAC0] =	vst v63  }
0x8d: {  	_ =	swait.ge [sflag:s6], $0x4000  }
0x8e: {  	[sflag:s6] =	ssyncset.done $0x0  }
0x8f: {  	s12 =	sadd.s32 $0x6780, s7;
	[sflag:s6] =	ssyncadd.s32 $0xFFFFC000  }
0x90: {  	[tilespmem:s1], [sflag:$0x4] =	stream.indirect.gather [spmem:s2], $0x80, s12, s17, $0xb8;
	[tilespmem:$0x1DAC0] =	vst v63  }
0x91: {  	_ =	swait.ge [sflag:s21], $0x4000  }
0x92: {  	[sflag:s21] =	ssyncset.done $0x0  }
0x93: {  	p1 =	seq.s32 s9, $0x18000;
	s7 =	sadd.s32 $0x380, s7;
	[sflag:s21] =	ssyncadd.s32 $0xFFFFC000  }
0x94: {  	[tilespmem:s1], [sflag:$0x8] =	stream.indirect.gather.add.f32 [hbm:s0], $0x80, s7, s17, $0xb8;
	[tilespmem:$0x1DAC0] =	vst v63  }
0x95: {  	s7 =	sshra.s32 @!p1 s9, $0x2;
	s9 =	sadd.s32 @!p1 $0x800, s9;
	_ =	swait.ge [sflag:s29], $0x4000  }
0x96: {  	p2 =	sne.s32 @!p1 s9, $0x18800;
	[sflag:s29] =	ssyncset.done $0x0  }
0x97: {  	s12 =	sadd.s32 $0x1800, s14;
	p2 =	por p1, !p2;
	[sflag:s29] =	ssyncadd.s32 $0xFFFFC000  }
0x98: {  	[hbm4b:s12+s3] =	stream.linear.scatter [tilespmem:s26], [sflag:$0xB], $0x4000, $0x38;
	[tilespmem:$0x1DAC0] =	vst v63  }
.Ltmp2:
0x99: {  	_ = 	snop;
	(pc) =	sbr.rel @!p2 .LBB2_6-.Ltmp2, $4  }
0x9a: {  	s11 =	simm.s32 @!p1 $0x80;
	_ =	swait.ge [sflag:s31], $0x4000  }
0x9b: {  	s13 =	sadd.s32 @!p1 $0x2000, s13;
	s14 =	sadd.s32 @!p1 $0x2000, s14;
	[sflag:s31] =	ssyncset.done $0x0  }
0x9c: {  	s7 =	sadd.s32 @!p1 $0x6800, s7;
	s12 =	simm.s32 @!p1 $0xC800;
	[sflag:s31] =	ssyncadd.s32 $0xFFFFC000  }
0x9d: {  	[tilespmem:s12], [sflag:$0x1] =	stream.indirect.gather @!p1 [spmem:s2], $0x80, s7, s11, $0xb8;
	[tilespmem:$0x1DAC0] =	vst v63  }
0x9e: {  	_ =	swait.ge [sflag:s25], $0x4000  }
0x9f: {  	[sflag:s25] =	ssyncset.done $0x0  }
0xa0: {  	s7 =	rddreg [dreg:$0xb];
	[sflag:s25] =	ssyncadd.s32 $0xFFFFC000  }
0xa1: {  	[hbm4b:s7+s3] =	stream.linear.scatter [tilespmem:s1], [sflag:$0xC], $0x4000, $0x38;
	[tilespmem:$0x1DAC0] =	vst v63  }
0xa2: {  	_ =	swait.ge [sflag:s4], $0x4000  }
0xa3: {  	[sflag:s4] =	ssyncset.done $0x0  }
0xa4: {  	[sflag:s4] =	ssyncadd.s32 $0xFFFFC000  }
0xa5: {  	_ =	swait.ge [sflag:s5], $0x4000  }
0xa6: {  	[sflag:s5] =	ssyncset.done $0x0  }
0xa7: {  	[sflag:s5] =	ssyncadd.s32 $0xFFFFC000  }
0xa8: {  	_ =	swait.ge [sflag:s6], $0x4000  }
0xa9: {  	s8 =	sadd.s32 $0x1, s8;
	s14 =	rddreg [dreg:$0xc]  }
0xaa: {  	p1 =	sne.s32 s8, s14  }
.Ltmp3:
0xab: {  	_ = 	snop;
	(pc) =	sbr.rel @p1 .LBB2_1-.Ltmp3, $3  }
0xac: {  	_ =	sdelay $0x1  }
0xad: {  	[sflag:s6] =	ssyncset.done $0x0  }
0xae: {  	[sflag:s6] =	ssyncadd.s32 $0xFFFFC000  }
0xaf: {  	_ =	sfence.sel $0x180000  }
0xb0: {  	[bflag:$0x0] =	sbarrier.arrive $0xFFFF  }
0xb1: {  	_ =	strace $0x90000047  }
0xb2: {  	[bflag:$0x2] =	sbarrier.arrive $0xFFFF  }
0xb3: {  	s0 =	rddreg [dreg:$0x4]  }
0xb4: {  	s0 =	sadd.s32 @!p0 $0x100000, s0  }
0xb5: {  	[sflag:s0] =	ssyncadd.tile.s32 @!p0 $0x1;
	_ =	shalt  }
.Lfunc_end2:
_tile_overlayer_lowered:
.L_overlay_start_2:
0xb6: {  	(tag) =	ssettag $0x2  }
0xb7: {  	s0 =	rddreg [dreg:$0x0];
	s2 =	stileid.u32  }
0xb8: {  	s1 =	rddreg [dreg:$0x1];
	p0 =	sne.s32 s2, $0x0  }
0xb9: {  	s3 =	rddreg [dreg:$0x2];
	[bflag:$0x3] =	sbarrier.arrive $0xFFFF;
	s2 =	simm.s32 @!p0 $0x1C0D  }
0xba: {  	[timem:s3], [sflag:s2] =	dma.local @!p0 [hbm:s0], s1  }
0xbb: {  	s0 =	simm.s32 @!p0 $0xD  }
0xbc: {  	_ =	swait.ge @!p0 [sflag:s0], s1  }
0xbd: {  	s1 =	ssub.s32 @!p0 $0x0, s1;
	[sflag:s0] =	ssyncset.done @!p0 $0x0  }
0xbe: {  	[sflag:s0] =	ssyncadd.s32 @!p0 s1  }
0xbf: {  	[bflag:$0x3] =	sbarrier.arrive $0xFFFF  }
0xc0: {  	_ =	shalt  }

</sc_bundles>
